<compile_context>
chip_gen: v7x
topology: tpu7x:2x2x1
jax: 0.10.2.dev20260603
libtpu: 0.0.44.dev20260713+nightly
codegen_flags: <defaults>
</compile_context>

<pallas_src>
import functools

import jax
import jax.numpy as jnp
from jax import lax
from jax.experimental import pallas as pl
from jax.experimental.pallas import tpu as pltpu
from jax.experimental.pallas import tpu_sc as plsc

N = 10000
E = 320000
D = 128
H = 8
DH = D // H

NC = 2
NS = 16
NW = NC * NS
CH = 128
QC = 16
N_PAD = 10240
E_PAD = 327680
EPW = E_PAD // NW
NCH = EPW // CH
RPS = N_PAD // NS

ROW_BLK = 1000


def _proj_k_body(k_ref, wkt_ref, bk_ref, out_ref):
    out_ref[...] = jnp.dot(k_ref[...], wkt_ref[...],
                           preferred_element_type=jnp.float32) + bk_ref[...]


def _proj_k(k, wkt, bk):
    return pl.pallas_call(
        _proj_k_body,
        grid=(N // ROW_BLK,),
        in_specs=[
            pl.BlockSpec((ROW_BLK, D), lambda i: (i, 0)),
            pl.BlockSpec((D, D), lambda i: (0, 0)),
            pl.BlockSpec((1, D), lambda i: (0, 0)),
        ],
        out_specs=pl.BlockSpec((ROW_BLK, D), lambda i: (i, 0)),
        out_shape=jax.ShapeDtypeStruct((N, D), jnp.float32),
    )(k, wkt, bk)


def _sc_body(kp_hbm, a_hbm, b_hbm, out_hbm, cnt_hbm,
             a_v, b_v, rows0, rows1, cnt_v, acc_sh, g0, g1, s0, s1):
    c = lax.axis_index("c")
    s = lax.axis_index("s")
    wid = c * NS + s

    def zrow(r, carry):
        for cc in range(D // 16):
            rows0[r, pl.ds(cc * 16, 16)] = jnp.zeros((16,), jnp.float32)
        return carry

    lax.fori_loop(0, CH, zrow, 0)

    def zblk(i, carry):
        pltpu.sync_copy(rows0, acc_sh.at[pl.ds(s * RPS + i * CH, CH)])
        return carry

    lax.fori_loop(0, RPS // CH, zblk, 0)

    def zcnt(i, carry):
        cnt_v[pl.ds(i * 16, 16)] = jnp.zeros((16,), jnp.int32)
        return carry

    lax.fori_loop(0, N_PAD // 16, zcnt, 0)

    plsc.subcore_barrier()

    ones16 = jnp.ones((16,), jnp.int32)

    def counts(j):
        for g in range(CH // 16):
            idx = a_v[j, pl.ds(g * 16, 16)]
            plsc.addupdate_scatter(cnt_v, [idx], ones16)

    def g_start(j, buf, sem):
        pltpu.async_copy(kp_hbm.at[b_v.at[j]], buf, sem)

    def g_wait(buf, sem):
        pltpu.make_async_copy(kp_hbm.at[b_v.at[0]], buf, sem).wait()

    def s_start(j, buf, sem):
        pltpu.async_copy(buf, acc_sh.at[a_v.at[j]], sem, add=True)

    def s_wait(buf, sem):
        pltpu.make_async_copy(buf, acc_sh.at[a_v.at[0]], sem).wait()

    def quarter(q, carry):
        pltpu.sync_copy(a_hbm.at[pl.ds(wid * NCH + q * QC, QC)], a_v)
        pltpu.sync_copy(b_hbm.at[pl.ds(wid * NCH + q * QC, QC)], b_v)

        g_start(0, rows0, g0)
        counts(0)
        g_wait(rows0, g0)
        g_start(1, rows1, g1)
        s_start(0, rows0, s0)
        counts(1)
        g_wait(rows1, g1)
        s_wait(rows0, s0)
        g_start(2, rows0, g0)
        s_start(1, rows1, s1)

        def pair(t, carry2):
            j0 = 2 * t
            counts(j0)
            g_wait(rows0, g0)
            s_wait(rows1, s1)
            g_start(j0 + 1, rows1, g1)
            s_start(j0, rows0, s0)
            counts(j0 + 1)
            g_wait(rows1, g1)
            s_wait(rows0, s0)
            g_start(j0 + 2, rows0, g0)
            s_start(j0 + 1, rows1, s1)
            return carry2

        lax.fori_loop(1, QC // 2 - 1, pair, 0)

        counts(QC - 2)
        g_wait(rows0, g0)
        s_wait(rows1, s1)
        g_start(QC - 1, rows1, g1)
        s_start(QC - 2, rows0, s0)
        counts(QC - 1)
        g_wait(rows1, g1)
        s_wait(rows0, s0)
        s_start(QC - 1, rows1, s1)
        s_wait(rows1, s1)
        return carry

    lax.fori_loop(0, NCH // QC, quarter, 0)

    plsc.subcore_barrier()

    def wblk(i, carry):
        base = s * RPS + i * CH
        pltpu.sync_copy(acc_sh.at[pl.ds(base, CH)], rows0)
        pltpu.sync_copy(rows0, out_hbm.at[c, pl.ds(base, CH)])
        return carry

    lax.fori_loop(0, RPS // CH, wblk, 0)
    pltpu.sync_copy(cnt_v, cnt_hbm.at[wid])


@functools.cache
def _sc_segment_sum():
    return pl.kernel(
        _sc_body,
        mesh=plsc.VectorSubcoreMesh(core_axis_name="c", subcore_axis_name="s"),
        out_type=(
            jax.ShapeDtypeStruct((NC, N_PAD, D), jnp.float32),
            jax.ShapeDtypeStruct((NW, N_PAD), jnp.int32),
        ),
        scratch_types=[
            pltpu.VMEM((QC, CH), jnp.int32),
            pltpu.VMEM((QC, CH), jnp.int32),
            pltpu.VMEM((CH, D), jnp.float32),
            pltpu.VMEM((CH, D), jnp.float32),
            pltpu.VMEM((N_PAD,), jnp.int32),
            pltpu.VMEM_SHARED((N_PAD, D), jnp.float32),
            pltpu.SemaphoreType.DMA,
            pltpu.SemaphoreType.DMA,
            pltpu.SemaphoreType.DMA,
            pltpu.SemaphoreType.DMA,
        ],
        compiler_params=pltpu.CompilerParams(needs_layout_passes=False),
    )


def _attn_body(q_ref, v_ref, kp_ref, cnt_ref, rot_ref, red_ref, exp_ref,
               wqt_ref, wvt_ref, wct_ref, bq_ref, bv_ref, bc_ref, out_ref):
    f32 = jnp.float32
    qb = jnp.dot(q_ref[...], wqt_ref[...],
                 preferred_element_type=f32) + bq_ref[...]
    vb = jnp.dot(v_ref[...], wvt_ref[...],
                 preferred_element_type=f32) + bv_ref[...]
    ks = kp_ref[0] + kp_ref[1]
    cnt = jnp.sum(cnt_ref[...], axis=1, keepdims=True).astype(f32)
    inv = 1.0 / jnp.maximum(cnt, 1.0)

    means = []
    for o in range(H):
        kro = jnp.dot(ks, rot_ref[o], preferred_element_type=f32)
        means.append(
            jnp.dot(qb * kro, red_ref[...], preferred_element_type=f32)
            * inv)
    m = means[0]
    for o in range(1, H):
        m = jnp.maximum(m, means[o])
    es = [jnp.exp(mo - m) for mo in means]
    z = es[0]
    for o in range(1, H):
        z = z + es[o]
    zinv = 1.0 / z
    oh = None
    for o in range(H):
        attn_t = jnp.dot(es[o] * zinv, exp_ref[...],
                         preferred_element_type=f32)
        vro = jnp.dot(vb, rot_ref[o], preferred_element_type=f32)
        oh = attn_t * vro if oh is None else oh + attn_t * vro
    out_ref[...] = jnp.dot(oh, wct_ref[...],
                           preferred_element_type=f32) + bc_ref[...]


_ATTN_SPECS = [
    pl.BlockSpec((ROW_BLK, D), lambda i: (i, 0)),
    pl.BlockSpec((ROW_BLK, D), lambda i: (i, 0)),
    pl.BlockSpec((NC, ROW_BLK, D), lambda i: (0, i, 0)),
    pl.BlockSpec((ROW_BLK, NW), lambda i: (i, 0)),
    pl.BlockSpec((H, D, D), lambda i: (0, 0, 0)),
    pl.BlockSpec((D, H), lambda i: (0, 0)),
    pl.BlockSpec((H, D), lambda i: (0, 0)),
    pl.BlockSpec((D, D), lambda i: (0, 0)),
    pl.BlockSpec((D, D), lambda i: (0, 0)),
    pl.BlockSpec((D, D), lambda i: (0, 0)),
    pl.BlockSpec((1, D), lambda i: (0, 0)),
    pl.BlockSpec((1, D), lambda i: (0, 0)),
    pl.BlockSpec((1, D), lambda i: (0, 0)),
]


def _attn(q, v, parts, cnt_t, rot, red, exp_m, wqt, wvt, wct, bq, bv, bc):
    return pl.pallas_call(
        _attn_body,
        grid=(N // ROW_BLK,),
        in_specs=_ATTN_SPECS,
        out_specs=pl.BlockSpec((ROW_BLK, D), lambda i: (i, 0)),
        out_shape=jax.ShapeDtypeStruct((N, D), jnp.float32),
    )(q, v, parts, cnt_t, rot, red, exp_m, wqt, wvt, wct, bq, bv, bc)


def _selectors():
    d_idx = jnp.arange(D)
    i_of = d_idx // DH
    d_of = d_idx % DH
    rot = jnp.stack([
        jax.nn.one_hot(((i_of + o) % H) * DH + d_of, D, axis=0,
                       dtype=jnp.float32)
        for o in range(H)])
    red = jax.nn.one_hot(i_of, H, dtype=jnp.float32)
    return rot, red, red.T


def kernel(q, k, v, edge_index, latent,
           w_q, b_q, w_k, b_k, w_v, b_v, w_c, b_c):
    a = edge_index[0]
    b = edge_index[1]
    pad = E_PAD - E
    a_p = jnp.concatenate(
        [a, N + (jnp.arange(pad, dtype=jnp.int32) % (N_PAD - N))])
    b_p = jnp.concatenate([b, jnp.zeros((pad,), jnp.int32)])
    a2 = a_p.reshape(E_PAD // CH, CH)
    b2 = b_p.reshape(E_PAD // CH, CH)

    kp = _proj_k(k, w_k.T, b_k.reshape(1, D))
    parts, cnt = _sc_segment_sum()(kp, a2, b2)
    rot, red, exp_m = _selectors()
    del latent
    return _attn(q, v, parts, cnt.T[:N], rot, red, exp_m,
                 w_q.T, w_v.T, w_c.T,
                 b_q.reshape(1, D), b_v.reshape(1, D), b_c.reshape(1, D))

# --- scband reference (transcript-rebuilt; emitter-appended) ---
"""Pipeline reference for scband-multi-head-attention-69423851373089 (READ-ONLY COPY).

The authoritative reference and input builder live on the scoring server;
editing this copy changes nothing except your own understanding.
"""

import jax, jax.numpy as jnp
import numpy as np

N = 10000
E = 320000
D = 128
H = 8
DH = D // H


def setup_inputs(seed: int = 0) -> dict:
    key = jax.random.key(seed)
    ks = jax.random.split(key, 12)
    q = jax.random.normal(ks[0], (N, D), dtype=jnp.float32)
    k = jax.random.normal(ks[1], (N, D), dtype=jnp.float32)
    v = jax.random.normal(ks[2], (N, D), dtype=jnp.float32)
    edge_index = jax.random.randint(ks[3], (2, E), 0, N, dtype=jnp.int32)
    scale = 1.0 / np.sqrt(D)
    w_q = jax.random.normal(ks[4], (D, D), dtype=jnp.float32) * scale
    b_q = jax.random.normal(ks[5], (D,), dtype=jnp.float32) * scale
    w_k = jax.random.normal(ks[6], (D, D), dtype=jnp.float32) * scale
    b_k = jax.random.normal(ks[7], (D,), dtype=jnp.float32) * scale
    w_v = jax.random.normal(ks[8], (D, D), dtype=jnp.float32) * scale
    b_v = jax.random.normal(ks[9], (D,), dtype=jnp.float32) * scale
    w_c = jax.random.normal(ks[10], (D, D), dtype=jnp.float32) * scale
    b_c = jax.random.normal(ks[11], (D,), dtype=jnp.float32) * scale
    return {
        "q": q, "k": k, "v": v,
        "edge_index": edge_index,
        "latent": 0,
        "w_q": w_q, "b_q": b_q,
        "w_k": w_k, "b_k": b_k,
        "w_v": w_v, "b_v": b_v,
        "w_c": w_c, "b_c": b_c,
    }


def reference(q, k, v, edge_index, latent, w_q, b_q, w_k, b_k, w_v, b_v, w_c, b_c):
    # Linear projections (torch nn.Linear convention: y = x @ W.T + b)
    qp = (q @ w_q.T + b_q).reshape(N, H, DH)
    kp = (k @ w_k.T + b_k).reshape(N, H, DH)
    vp = (v @ w_v.T + b_v).reshape(N, H, DH)
    A = edge_index[0]
    B = edge_index[1]
    # score = q[A] @ k.transpose(-1,-2)[B] -> [E, H, H]
    score = jnp.matmul(qp[A], jnp.swapaxes(kp, -1, -2)[B])
    # MeanAggregation per head over source index A -> [N, H, H]
    sums = jax.ops.segment_sum(score, A, num_segments=N)
    counts = jax.ops.segment_sum(jnp.ones((E,), jnp.float32), A, num_segments=N)
    mean = sums / jnp.maximum(counts, 1.0)[:, None, None]
    attn = jax.nn.softmax(mean, axis=-1)
    # v = score @ v -> [N, H, DH]
    out_h = jnp.matmul(attn, vp)
    # concat heads + output projection
    out = out_h.reshape(N, H * DH) @ w_c.T + b_c
    out = out + (jnp.asarray(latent) * 0).astype(out.dtype)
    return out

if __name__ == "__main__":
    import jax
    _d = setup_inputs()
    print(jax.jit(kernel)(*tuple(_d.values())))

</pallas_src>

<mosaic_0001>
#map = affine_map<(d0, d1) -> (0, 0)>
#map1 = affine_map<(d0, d1) -> (0, 0, 0)>
module attributes {stable_mosaic.version = 14 : i64} {
  func.func @_sc_body(%arg0: i32, %arg1: i32, %arg2: memref<10000x128xf32, #tpu.memory_space<hbm>>, %arg3: memref<2560x128xi32, #tpu.memory_space<hbm>>, %arg4: memref<2560x128xi32, #tpu.memory_space<hbm>>, %arg5: memref<2x10240x128xf32, #tpu.memory_space<hbm>>, %arg6: memref<32x10240xi32, #tpu.memory_space<hbm>>, %arg7: memref<16x128xi32, #tpu.memory_space<vmem>>, %arg8: memref<16x128xi32, #tpu.memory_space<vmem>>, %arg9: memref<128x128xf32, #tpu.memory_space<vmem>>, %arg10: memref<128x128xf32, #tpu.memory_space<vmem>>, %arg11: memref<10240xi32, #tpu.memory_space<vmem>>, %arg12: memref<10240x128xf32, #tpu.memory_space<vmem_shared>>, %arg13: memref<!tpu.dma_semaphore, #tpu.memory_space<semaphore_mem>>, %arg14: memref<!tpu.dma_semaphore, #tpu.memory_space<semaphore_mem>>, %arg15: memref<!tpu.dma_semaphore, #tpu.memory_space<semaphore_mem>>, %arg16: memref<!tpu.dma_semaphore, #tpu.memory_space<semaphore_mem>>) attributes {dimension_semantics = [#tpu.dimension_semantics<core_parallel>, #tpu.dimension_semantics<subcore_parallel>], iteration_bounds = array<i64: 2, 16>, scalar_prefetch = 0 : i64, scratch_operands = 10 : i64, tpu.core_type = #tpu.core_type<sc_vector_subcore>, window_params = [{transform_indices = #map}, {transform_indices = #map}, {transform_indices = #map}, {transform_indices = #map1}, {transform_indices = #map}]} {
    %mul3A = arith.constant 16 : i32
    %mul3A_0 = arith.muli %arg0, %mul3A : i32
    %add3A = arith.addi %mul3A_0, %arg1 : i32
    %scan3A = arith.constant 0 : i32
    %scan3A_1 = arith.constant 0 : i32
    %scan3A_2 = arith.constant 128 : i32
    %scan3A_3 = arith.addi %scan3A_1, %scan3A_2 : i32
    %scan3A_4 = arith.constant 1 : i32
    scf.for %scan3A_32 = %scan3A_1 to %scan3A_3 step %scan3A_4  : i32 {
      %broadcast_in_dim3A_33 = arith.constant 0.000000e+00 : f32
      %broadcast_in_dim3A_34 = vector.broadcast %broadcast_in_dim3A_33 : f32 to vector<16xf32>
      %swap3A = arith.index_cast %scan3A_32 : i32 to index
      %swap3A_35 = arith.constant 0 : index
      %swap3A_36 = tpu.vector_load %arg9[%swap3A, %swap3A_35] {strides = array<i32>} : memref<128x128xf32, #tpu.memory_space<vmem>>, vector<16xf32>,
      tpu.vector_store %arg9[%swap3A, %swap3A_35], %broadcast_in_dim3A_34 {strides = array<i32>} : memref<128x128xf32, #tpu.memory_space<vmem>>, vector<16xf32>,
      %broadcast_in_dim3A_37 = arith.constant 0.000000e+00 : f32
      %broadcast_in_dim3A_38 = vector.broadcast %broadcast_in_dim3A_37 : f32 to vector<16xf32>
      %swap3A_39 = arith.index_cast %scan3A_32 : i32 to index
      %swap3A_40 = arith.constant 16 : index
      %swap3A_41 = tpu.vector_load %arg9[%swap3A_39, %swap3A_40] {strides = array<i32>} : memref<128x128xf32, #tpu.memory_space<vmem>>, vector<16xf32>,
      tpu.vector_store %arg9[%swap3A_39, %swap3A_40], %broadcast_in_dim3A_38 {strides = array<i32>} : memref<128x128xf32, #tpu.memory_space<vmem>>, vector<16xf32>,
      %broadcast_in_dim3A_42 = arith.constant 0.000000e+00 : f32
      %broadcast_in_dim3A_43 = vector.broadcast %broadcast_in_dim3A_42 : f32 to vector<16xf32>
      %swap3A_44 = arith.index_cast %scan3A_32 : i32 to index
      %swap3A_45 = arith.constant 32 : index
      %swap3A_46 = tpu.vector_load %arg9[%swap3A_44, %swap3A_45] {strides = array<i32>} : memref<128x128xf32, #tpu.memory_space<vmem>>, vector<16xf32>,
      tpu.vector_store %arg9[%swap3A_44, %swap3A_45], %broadcast_in_dim3A_43 {strides = array<i32>} : memref<128x128xf32, #tpu.memory_space<vmem>>, vector<16xf32>,
      %broadcast_in_dim3A_47 = arith.constant 0.000000e+00 : f32
      %broadcast_in_dim3A_48 = vector.broadcast %broadcast_in_dim3A_47 : f32 to vector<16xf32>
      %swap3A_49 = arith.index_cast %scan3A_32 : i32 to index
      %swap3A_50 = arith.constant 48 : index
      %swap3A_51 = tpu.vector_load %arg9[%swap3A_49, %swap3A_50] {strides = array<i32>} : memref<128x128xf32, #tpu.memory_space<vmem>>, vector<16xf32>,
      tpu.vector_store %arg9[%swap3A_49, %swap3A_50], %broadcast_in_dim3A_48 {strides = array<i32>} : memref<128x128xf32, #tpu.memory_space<vmem>>, vector<16xf32>,
      %broadcast_in_dim3A_52 = arith.constant 0.000000e+00 : f32
      %broadcast_in_dim3A_53 = vector.broadcast %broadcast_in_dim3A_52 : f32 to vector<16xf32>
      %swap3A_54 = arith.index_cast %scan3A_32 : i32 to index
      %swap3A_55 = arith.constant 64 : index
      %swap3A_56 = tpu.vector_load %arg9[%swap3A_54, %swap3A_55] {strides = array<i32>} : memref<128x128xf32, #tpu.memory_space<vmem>>, vector<16xf32>,
      tpu.vector_store %arg9[%swap3A_54, %swap3A_55], %broadcast_in_dim3A_53 {strides = array<i32>} : memref<128x128xf32, #tpu.memory_space<vmem>>, vector<16xf32>,
      %broadcast_in_dim3A_57 = arith.constant 0.000000e+00 : f32
      %broadcast_in_dim3A_58 = vector.broadcast %broadcast_in_dim3A_57 : f32 to vector<16xf32>
      %swap3A_59 = arith.index_cast %scan3A_32 : i32 to index
      %swap3A_60 = arith.constant 80 : index
      %swap3A_61 = tpu.vector_load %arg9[%swap3A_59, %swap3A_60] {strides = array<i32>} : memref<128x128xf32, #tpu.memory_space<vmem>>, vector<16xf32>,
      tpu.vector_store %arg9[%swap3A_59, %swap3A_60], %broadcast_in_dim3A_58 {strides = array<i32>} : memref<128x128xf32, #tpu.memory_space<vmem>>, vector<16xf32>,
      %broadcast_in_dim3A_62 = arith.constant 0.000000e+00 : f32
      %broadcast_in_dim3A_63 = vector.broadcast %broadcast_in_dim3A_62 : f32 to vector<16xf32>
      %swap3A_64 = arith.index_cast %scan3A_32 : i32 to index
      %swap3A_65 = arith.constant 96 : index
      %swap3A_66 = tpu.vector_load %arg9[%swap3A_64, %swap3A_65] {strides = array<i32>} : memref<128x128xf32, #tpu.memory_space<vmem>>, vector<16xf32>,
      tpu.vector_store %arg9[%swap3A_64, %swap3A_65], %broadcast_in_dim3A_63 {strides = array<i32>} : memref<128x128xf32, #tpu.memory_space<vmem>>, vector<16xf32>,
      %broadcast_in_dim3A_67 = arith.constant 0.000000e+00 : f32
      %broadcast_in_dim3A_68 = vector.broadcast %broadcast_in_dim3A_67 : f32 to vector<16xf32>
      %swap3A_69 = arith.index_cast %scan3A_32 : i32 to index
      %swap3A_70 = arith.constant 112 : index
      %swap3A_71 = tpu.vector_load %arg9[%swap3A_69, %swap3A_70] {strides = array<i32>} : memref<128x128xf32, #tpu.memory_space<vmem>>, vector<16xf32>,
      tpu.vector_store %arg9[%swap3A_69, %swap3A_70], %broadcast_in_dim3A_68 {strides = array<i32>} : memref<128x128xf32, #tpu.memory_space<vmem>>, vector<16xf32>,
    }
    %scan3A_5 = arith.constant 128 : i32
    %scan3A_6 = arith.constant 0 : i32
    %scan3A_7 = arith.constant 0 : i32
    %scan3A_8 = arith.constant 5 : i32
    %scan3A_9 = arith.addi %scan3A_7, %scan3A_8 : i32
    %scan3A_10 = arith.constant 1 : i32
    scf.for %scan3A_32 = %scan3A_7 to %scan3A_9 step %scan3A_10  : i32 {
      %mul3A_33 = arith.constant 640 : i32
      %mul3A_34 = arith.muli %arg1, %mul3A_33 : i32
      %mul3A_35 = arith.constant 128 : i32
      %mul3A_36 = arith.muli %scan3A_32, %mul3A_35 : i32
      %add3A_37 = arith.addi %mul3A_34, %mul3A_36 : i32
      "tpu.region"() ({
        %run_scoped3A = tpu.sem_alloc : memref<!tpu.dma_semaphore, #tpu.memory_space<semaphore_mem>>
        %dma_start3A = arith.constant 0 : i32
        %dma_start3A_38 = tpu.memref_slice %arg12[%add3A_37, %dma_start3A] : memref<10240x128xf32, #tpu.memory_space<vmem_shared>> -> memref<128x128xf32, #tpu.memory_space<vmem_shared>>
        %dma_start3A_39 = arith.constant 0 : i32
        %dma_start3A_40 = tpu.memref_slice %arg12[%add3A_37, %dma_start3A_39] : memref<10240x128xf32, #tpu.memory_space<vmem_shared>> -> memref<128x128xf32, #tpu.memory_space<vmem_shared>>
        tpu.enqueue_dma source(%arg9 : memref<128x128xf32, #tpu.memory_space<vmem>>) target(%dma_start3A_40 : memref<128x128xf32, #tpu.memory_space<vmem_shared>>) target_semaphore(%run_scoped3A : memref<!tpu.dma_semaphore, #tpu.memory_space<semaphore_mem>>)
        %dma_wait3A = arith.constant 0 : i32
        %dma_wait3A_41 = tpu.memref_slice %arg12[%add3A_37, %dma_wait3A] : memref<10240x128xf32, #tpu.memory_space<vmem_shared>> -> memref<128x128xf32, #tpu.memory_space<vmem_shared>>
        %dma_wait3A_42 = arith.constant 0 : i32
        %dma_wait3A_43 = tpu.memref_slice %arg12[%add3A_37, %dma_wait3A_42] : memref<10240x128xf32, #tpu.memory_space<vmem_shared>> -> memref<128x128xf32, #tpu.memory_space<vmem_shared>>
        tpu.wait_dma2 semaphore(%run_scoped3A : memref<!tpu.dma_semaphore, #tpu.memory_space<semaphore_mem>>) src(%arg9 : memref<128x128xf32, #tpu.memory_space<vmem>>) dst(%dma_wait3A_43 : memref<128x128xf32, #tpu.memory_space<vmem_shared>>)
        tpu.yield
      }) : () -> ()
    }
    %scan3A_11 = arith.constant 5 : i32
    %scan3A_12 = arith.constant 0 : i32
    %scan3A_13 = arith.constant 0 : i32
    %scan3A_14 = arith.constant 640 : i32
    %scan3A_15 = arith.addi %scan3A_13, %scan3A_14 : i32
    %scan3A_16 = arith.constant 1 : i32
    scf.for %scan3A_32 = %scan3A_13 to %scan3A_15 step %scan3A_16  : i32 {
      %broadcast_in_dim3A_33 = arith.constant 0 : i32
      %broadcast_in_dim3A_34 = vector.broadcast %broadcast_in_dim3A_33 : i32 to vector<16xi32>
      %mul3A_35 = arith.constant 16 : i32
      %mul3A_36 = arith.muli %scan3A_32, %mul3A_35 : i32
      %swap3A = arith.index_cast %mul3A_36 : i32 to index
      %swap3A_37 = tpu.vector_load %arg11[%swap3A] {strides = array<i32>} : memref<10240xi32, #tpu.memory_space<vmem>>, vector<16xi32>,
      tpu.vector_store %arg11[%swap3A], %broadcast_in_dim3A_34 {strides = array<i32>} : memref<10240xi32, #tpu.memory_space<vmem>>, vector<16xi32>,
    }
    %scan3A_17 = arith.constant 640 : i32
    %barrier3A = arith.constant 0 : index
    tpu.barrier barrier_id(%barrier3A)
    %broadcast_in_dim3A = arith.constant 1 : i32
    %broadcast_in_dim3A_18 = vector.broadcast %broadcast_in_dim3A : i32 to vector<16xi32>
    %scan3A_19 = arith.constant 0 : i32
    %scan3A_20 = arith.constant 0 : i32
    %scan3A_21 = arith.constant 5 : i32
    %scan3A_22 = arith.addi %scan3A_20, %scan3A_21 : i32
    %scan3A_23 = arith.constant 1 : i32
    scf.for %scan3A_32 = %scan3A_20 to %scan3A_22 step %scan3A_23  : i32 {
      %mul3A_33 = arith.constant 80 : i32
      %mul3A_34 = arith.muli %add3A, %mul3A_33 : i32
      %mul3A_35 = arith.constant 16 : i32
      %mul3A_36 = arith.muli %scan3A_32, %mul3A_35 : i32
      %add3A_37 = arith.addi %mul3A_34, %mul3A_36 : i32
      "tpu.region"() ({
        %run_scoped3A = tpu.sem_alloc : memref<!tpu.dma_semaphore, #tpu.memory_space<semaphore_mem>>
        %dma_start3A_286 = arith.constant 0 : i32
        %dma_start3A_287 = tpu.memref_slice %arg3[%add3A_37, %dma_start3A_286] : memref<2560x128xi32, #tpu.memory_space<hbm>> -> memref<16x128xi32, #tpu.memory_space<hbm>>
        %dma_start3A_288 = arith.constant 0 : i32
        %dma_start3A_289 = tpu.memref_slice %arg3[%add3A_37, %dma_start3A_288] : memref<2560x128xi32, #tpu.memory_space<hbm>> -> memref<16x128xi32, #tpu.memory_space<hbm>>
        tpu.enqueue_dma source(%dma_start3A_289 : memref<16x128xi32, #tpu.memory_space<hbm>>) target(%arg7 : memref<16x128xi32, #tpu.memory_space<vmem>>) target_semaphore(%run_scoped3A : memref<!tpu.dma_semaphore, #tpu.memory_space<semaphore_mem>>)
        %dma_wait3A_290 = arith.constant 0 : i32
        %dma_wait3A_291 = tpu.memref_slice %arg3[%add3A_37, %dma_wait3A_290] : memref<2560x128xi32, #tpu.memory_space<hbm>> -> memref<16x128xi32, #tpu.memory_space<hbm>>
        %dma_wait3A_292 = arith.constant 0 : i32
        %dma_wait3A_293 = tpu.memref_slice %arg3[%add3A_37, %dma_wait3A_292] : memref<2560x128xi32, #tpu.memory_space<hbm>> -> memref<16x128xi32, #tpu.memory_space<hbm>>
        tpu.wait_dma2 semaphore(%run_scoped3A : memref<!tpu.dma_semaphore, #tpu.memory_space<semaphore_mem>>) src(%dma_wait3A_293 : memref<16x128xi32, #tpu.memory_space<hbm>>) dst(%arg7 : memref<16x128xi32, #tpu.memory_space<vmem>>)
        tpu.yield
      }) : () -> ()
      %mul3A_38 = arith.constant 80 : i32
      %mul3A_39 = arith.muli %add3A, %mul3A_38 : i32
      %mul3A_40 = arith.constant 16 : i32
      %mul3A_41 = arith.muli %scan3A_32, %mul3A_40 : i32
      %add3A_42 = arith.addi %mul3A_39, %mul3A_41 : i32
      "tpu.region"() ({
        %run_scoped3A = tpu.sem_alloc : memref<!tpu.dma_semaphore, #tpu.memory_space<semaphore_mem>>
        %dma_start3A_286 = arith.constant 0 : i32
        %dma_start3A_287 = tpu.memref_slice %arg4[%add3A_42, %dma_start3A_286] : memref<2560x128xi32, #tpu.memory_space<hbm>> -> memref<16x128xi32, #tpu.memory_space<hbm>>
        %dma_start3A_288 = arith.constant 0 : i32
        %dma_start3A_289 = tpu.memref_slice %arg4[%add3A_42, %dma_start3A_288] : memref<2560x128xi32, #tpu.memory_space<hbm>> -> memref<16x128xi32, #tpu.memory_space<hbm>>
        tpu.enqueue_dma source(%dma_start3A_289 : memref<16x128xi32, #tpu.memory_space<hbm>>) target(%arg8 : memref<16x128xi32, #tpu.memory_space<vmem>>) target_semaphore(%run_scoped3A : memref<!tpu.dma_semaphore, #tpu.memory_space<semaphore_mem>>)
        %dma_wait3A_290 = arith.constant 0 : i32
        %dma_wait3A_291 = tpu.memref_slice %arg4[%add3A_42, %dma_wait3A_290] : memref<2560x128xi32, #tpu.memory_space<hbm>> -> memref<16x128xi32, #tpu.memory_space<hbm>>
        %dma_wait3A_292 = arith.constant 0 : i32
        %dma_wait3A_293 = tpu.memref_slice %arg4[%add3A_42, %dma_wait3A_292] : memref<2560x128xi32, #tpu.memory_space<hbm>> -> memref<16x128xi32, #tpu.memory_space<hbm>>
        tpu.wait_dma2 semaphore(%run_scoped3A : memref<!tpu.dma_semaphore, #tpu.memory_space<semaphore_mem>>) src(%dma_wait3A_293 : memref<16x128xi32, #tpu.memory_space<hbm>>) dst(%arg8 : memref<16x128xi32, #tpu.memory_space<vmem>>)
        tpu.yield
      }) : () -> ()
      %dma_start3A = arith.constant 0 : i32
      %dma_start3A_43 = arith.constant 0 : i32
      %dma_start3A_44 = tpu.memref_slice %arg8[%dma_start3A, %dma_start3A_43] : memref<16x128xi32, #tpu.memory_space<vmem>> -> memref<1x128xi32, #tpu.memory_space<vmem>>
      %dma_start3A_45 = tpu.memref_squeeze %dma_start3A_44 : memref<1x128xi32, #tpu.memory_space<vmem>> -> memref<128xi32, #tpu.memory_space<vmem>>
      %dma_start3A_46 = arith.constant 0 : i32
      %dma_start3A_47 = arith.constant 0 : i32
      %dma_start3A_48 = tpu.memref_slice %arg2[%dma_start3A_46, %dma_start3A_47] : memref<10000x128xf32, #tpu.memory_space<hbm>> -> memref<10000x128xf32, #tpu.memory_space<hbm>>
      tpu.enqueue_indirect_dma source(%dma_start3A_48 : memref<10000x128xf32, #tpu.memory_space<hbm>>) target(%arg9 : memref<128x128xf32, #tpu.memory_space<vmem>>) offsets(%dma_start3A_45 : memref<128xi32, #tpu.memory_space<vmem>>) semaphore(%arg13 : memref<!tpu.dma_semaphore, #tpu.memory_space<semaphore_mem>>)
      %get3A = arith.constant 0 : i32
      %get3A_49 = arith.index_cast %get3A : i32 to index
      %get3A_50 = arith.constant 0 : index
      %get3A_51 = tpu.vector_load %arg7[%get3A_49, %get3A_50] {strides = array<i32>} : memref<16x128xi32, #tpu.memory_space<vmem>>, vector<16xi32>,
      tpu.vector_store_idx %arg11[%get3A_51], %broadcast_in_dim3A_18 {add = true} : memref<10240xi32, #tpu.memory_space<vmem>>[vector<16xi32>], vector<16xi32>,
      %get3A_52 = arith.constant 0 : i32
      %get3A_53 = arith.index_cast %get3A_52 : i32 to index
      %get3A_54 = arith.constant 16 : index
      %get3A_55 = tpu.vector_load %arg7[%get3A_53, %get3A_54] {strides = array<i32>} : memref<16x128xi32, #tpu.memory_space<vmem>>, vector<16xi32>,
      tpu.vector_store_idx %arg11[%get3A_55], %broadcast_in_dim3A_18 {add = true} : memref<10240xi32, #tpu.memory_space<vmem>>[vector<16xi32>], vector<16xi32>,
      %get3A_56 = arith.constant 0 : i32
      %get3A_57 = arith.index_cast %get3A_56 : i32 to index
      %get3A_58 = arith.constant 32 : index
      %get3A_59 = tpu.vector_load %arg7[%get3A_57, %get3A_58] {strides = array<i32>} : memref<16x128xi32, #tpu.memory_space<vmem>>, vector<16xi32>,
      tpu.vector_store_idx %arg11[%get3A_59], %broadcast_in_dim3A_18 {add = true} : memref<10240xi32, #tpu.memory_space<vmem>>[vector<16xi32>], vector<16xi32>,
      %get3A_60 = arith.constant 0 : i32
      %get3A_61 = arith.index_cast %get3A_60 : i32 to index
      %get3A_62 = arith.constant 48 : index
      %get3A_63 = tpu.vector_load %arg7[%get3A_61, %get3A_62] {strides = array<i32>} : memref<16x128xi32, #tpu.memory_space<vmem>>, vector<16xi32>,
      tpu.vector_store_idx %arg11[%get3A_63], %broadcast_in_dim3A_18 {add = true} : memref<10240xi32, #tpu.memory_space<vmem>>[vector<16xi32>], vector<16xi32>,
      %get3A_64 = arith.constant 0 : i32
      %get3A_65 = arith.index_cast %get3A_64 : i32 to index
      %get3A_66 = arith.constant 64 : index
      %get3A_67 = tpu.vector_load %arg7[%get3A_65, %get3A_66] {strides = array<i32>} : memref<16x128xi32, #tpu.memory_space<vmem>>, vector<16xi32>,
      tpu.vector_store_idx %arg11[%get3A_67], %broadcast_in_dim3A_18 {add = true} : memref<10240xi32, #tpu.memory_space<vmem>>[vector<16xi32>], vector<16xi32>,
      %get3A_68 = arith.constant 0 : i32
      %get3A_69 = arith.index_cast %get3A_68 : i32 to index
      %get3A_70 = arith.constant 80 : index
      %get3A_71 = tpu.vector_load %arg7[%get3A_69, %get3A_70] {strides = array<i32>} : memref<16x128xi32, #tpu.memory_space<vmem>>, vector<16xi32>,
      tpu.vector_store_idx %arg11[%get3A_71], %broadcast_in_dim3A_18 {add = true} : memref<10240xi32, #tpu.memory_space<vmem>>[vector<16xi32>], vector<16xi32>,
      %get3A_72 = arith.constant 0 : i32
      %get3A_73 = arith.index_cast %get3A_72 : i32 to index
      %get3A_74 = arith.constant 96 : index
      %get3A_75 = tpu.vector_load %arg7[%get3A_73, %get3A_74] {strides = array<i32>} : memref<16x128xi32, #tpu.memory_space<vmem>>, vector<16xi32>,
      tpu.vector_store_idx %arg11[%get3A_75], %broadcast_in_dim3A_18 {add = true} : memref<10240xi32, #tpu.memory_space<vmem>>[vector<16xi32>], vector<16xi32>,
      %get3A_76 = arith.constant 0 : i32
      %get3A_77 = arith.index_cast %get3A_76 : i32 to index
      %get3A_78 = arith.constant 112 : index
      %get3A_79 = tpu.vector_load %arg7[%get3A_77, %get3A_78] {strides = array<i32>} : memref<16x128xi32, #tpu.memory_space<vmem>>, vector<16xi32>,
      tpu.vector_store_idx %arg11[%get3A_79], %broadcast_in_dim3A_18 {add = true} : memref<10240xi32, #tpu.memory_space<vmem>>[vector<16xi32>], vector<16xi32>,
      %dma_wait3A = arith.constant 0 : i32
      %dma_wait3A_80 = arith.constant 0 : i32
      %dma_wait3A_81 = tpu.memref_slice %arg8[%dma_wait3A, %dma_wait3A_80] : memref<16x128xi32, #tpu.memory_space<vmem>> -> memref<1x128xi32, #tpu.memory_space<vmem>>
      %dma_wait3A_82 = tpu.memref_squeeze %dma_wait3A_81 : memref<1x128xi32, #tpu.memory_space<vmem>> -> memref<128xi32, #tpu.memory_space<vmem>>
      %dma_wait3A_83 = arith.constant 0 : i32
      %dma_wait3A_84 = arith.constant 0 : i32
      %dma_wait3A_85 = tpu.memref_slice %arg2[%dma_wait3A_83, %dma_wait3A_84] : memref<10000x128xf32, #tpu.memory_space<hbm>> -> memref<10000x128xf32, #tpu.memory_space<hbm>>
      tpu.wait_indirect_dma semaphore(%arg13 : memref<!tpu.dma_semaphore, #tpu.memory_space<semaphore_mem>>) src(%dma_wait3A_85 : memref<10000x128xf32, #tpu.memory_space<hbm>>) dst(%arg9 : memref<128x128xf32, #tpu.memory_space<vmem>>)
      %dma_start3A_86 = arith.constant 1 : i32
      %dma_start3A_87 = arith.constant 0 : i32
      %dma_start3A_88 = tpu.memref_slice %arg8[%dma_start3A_86, %dma_start3A_87] : memref<16x128xi32, #tpu.memory_space<vmem>> -> memref<1x128xi32, #tpu.memory_space<vmem>>
      %dma_start3A_89 = tpu.memref_squeeze %dma_start3A_88 : memref<1x128xi32, #tpu.memory_space<vmem>> -> memref<128xi32, #tpu.memory_space<vmem>>
      %dma_start3A_90 = arith.constant 0 : i32
      %dma_start3A_91 = arith.constant 0 : i32
      %dma_start3A_92 = tpu.memref_slice %arg2[%dma_start3A_90, %dma_start3A_91] : memref<10000x128xf32, #tpu.memory_space<hbm>> -> memref<10000x128xf32, #tpu.memory_space<hbm>>
      tpu.enqueue_indirect_dma source(%dma_start3A_92 : memref<10000x128xf32, #tpu.memory_space<hbm>>) target(%arg10 : memref<128x128xf32, #tpu.memory_space<vmem>>) offsets(%dma_start3A_89 : memref<128xi32, #tpu.memory_space<vmem>>) semaphore(%arg14 : memref<!tpu.dma_semaphore, #tpu.memory_space<semaphore_mem>>)
      %dma_start3A_93 = arith.constant 0 : i32
      %dma_start3A_94 = arith.constant 0 : i32
      %dma_start3A_95 = tpu.memref_slice %arg7[%dma_start3A_93, %dma_start3A_94] : memref<16x128xi32, #tpu.memory_space<vmem>> -> memref<1x128xi32, #tpu.memory_space<vmem>>
      %dma_start3A_96 = tpu.memref_squeeze %dma_start3A_95 : memref<1x128xi32, #tpu.memory_space<vmem>> -> memref<128xi32, #tpu.memory_space<vmem>>
      %dma_start3A_97 = arith.constant 0 : i32
      %dma_start3A_98 = arith.constant 0 : i32
      %dma_start3A_99 = tpu.memref_slice %arg12[%dma_start3A_97, %dma_start3A_98] : memref<10240x128xf32, #tpu.memory_space<vmem_shared>> -> memref<10240x128xf32, #tpu.memory_space<vmem_shared>>
      tpu.enqueue_indirect_dma source(%arg9 : memref<128x128xf32, #tpu.memory_space<vmem>>) target(%dma_start3A_99 : memref<10240x128xf32, #tpu.memory_space<vmem_shared>>) offsets(%dma_start3A_96 : memref<128xi32, #tpu.memory_space<vmem>>) semaphore(%arg15 : memref<!tpu.dma_semaphore, #tpu.memory_space<semaphore_mem>>) {add = true}
      %get3A_100 = arith.constant 1 : i32
      %get3A_101 = arith.index_cast %get3A_100 : i32 to index
      %get3A_102 = arith.constant 0 : index
      %get3A_103 = tpu.vector_load %arg7[%get3A_101, %get3A_102] {strides = array<i32>} : memref<16x128xi32, #tpu.memory_space<vmem>>, vector<16xi32>,
      tpu.vector_store_idx %arg11[%get3A_103], %broadcast_in_dim3A_18 {add = true} : memref<10240xi32, #tpu.memory_space<vmem>>[vector<16xi32>], vector<16xi32>,
      %get3A_104 = arith.constant 1 : i32
      %get3A_105 = arith.index_cast %get3A_104 : i32 to index
      %get3A_106 = arith.constant 16 : index
      %get3A_107 = tpu.vector_load %arg7[%get3A_105, %get3A_106] {strides = array<i32>} : memref<16x128xi32, #tpu.memory_space<vmem>>, vector<16xi32>,
      tpu.vector_store_idx %arg11[%get3A_107], %broadcast_in_dim3A_18 {add = true} : memref<10240xi32, #tpu.memory_space<vmem>>[vector<16xi32>], vector<16xi32>,
      %get3A_108 = arith.constant 1 : i32
      %get3A_109 = arith.index_cast %get3A_108 : i32 to index
      %get3A_110 = arith.constant 32 : index
      %get3A_111 = tpu.vector_load %arg7[%get3A_109, %get3A_110] {strides = array<i32>} : memref<16x128xi32, #tpu.memory_space<vmem>>, vector<16xi32>,
      tpu.vector_store_idx %arg11[%get3A_111], %broadcast_in_dim3A_18 {add = true} : memref<10240xi32, #tpu.memory_space<vmem>>[vector<16xi32>], vector<16xi32>,
      %get3A_112 = arith.constant 1 : i32
      %get3A_113 = arith.index_cast %get3A_112 : i32 to index
      %get3A_114 = arith.constant 48 : index
      %get3A_115 = tpu.vector_load %arg7[%get3A_113, %get3A_114] {strides = array<i32>} : memref<16x128xi32, #tpu.memory_space<vmem>>, vector<16xi32>,
      tpu.vector_store_idx %arg11[%get3A_115], %broadcast_in_dim3A_18 {add = true} : memref<10240xi32, #tpu.memory_space<vmem>>[vector<16xi32>], vector<16xi32>,
      %get3A_116 = arith.constant 1 : i32
      %get3A_117 = arith.index_cast %get3A_116 : i32 to index
      %get3A_118 = arith.constant 64 : index
      %get3A_119 = tpu.vector_load %arg7[%get3A_117, %get3A_118] {strides = array<i32>} : memref<16x128xi32, #tpu.memory_space<vmem>>, vector<16xi32>,
      tpu.vector_store_idx %arg11[%get3A_119], %broadcast_in_dim3A_18 {add = true} : memref<10240xi32, #tpu.memory_space<vmem>>[vector<16xi32>], vector<16xi32>,
      %get3A_120 = arith.constant 1 : i32
      %get3A_121 = arith.index_cast %get3A_120 : i32 to index
      %get3A_122 = arith.constant 80 : index
      %get3A_123 = tpu.vector_load %arg7[%get3A_121, %get3A_122] {strides = array<i32>} : memref<16x128xi32, #tpu.memory_space<vmem>>, vector<16xi32>,
      tpu.vector_store_idx %arg11[%get3A_123], %broadcast_in_dim3A_18 {add = true} : memref<10240xi32, #tpu.memory_space<vmem>>[vector<16xi32>], vector<16xi32>,
      %get3A_124 = arith.constant 1 : i32
      %get3A_125 = arith.index_cast %get3A_124 : i32 to index
      %get3A_126 = arith.constant 96 : index
      %get3A_127 = tpu.vector_load %arg7[%get3A_125, %get3A_126] {strides = array<i32>} : memref<16x128xi32, #tpu.memory_space<vmem>>, vector<16xi32>,
      tpu.vector_store_idx %arg11[%get3A_127], %broadcast_in_dim3A_18 {add = true} : memref<10240xi32, #tpu.memory_space<vmem>>[vector<16xi32>], vector<16xi32>,
      %get3A_128 = arith.constant 1 : i32
      %get3A_129 = arith.index_cast %get3A_128 : i32 to index
      %get3A_130 = arith.constant 112 : index
      %get3A_131 = tpu.vector_load %arg7[%get3A_129, %get3A_130] {strides = array<i32>} : memref<16x128xi32, #tpu.memory_space<vmem>>, vector<16xi32>,
      tpu.vector_store_idx %arg11[%get3A_131], %broadcast_in_dim3A_18 {add = true} : memref<10240xi32, #tpu.memory_space<vmem>>[vector<16xi32>], vector<16xi32>,
      %dma_wait3A_132 = arith.constant 0 : i32
      %dma_wait3A_133 = arith.constant 0 : i32
      %dma_wait3A_134 = tpu.memref_slice %arg8[%dma_wait3A_132, %dma_wait3A_133] : memref<16x128xi32, #tpu.memory_space<vmem>> -> memref<1x128xi32, #tpu.memory_space<vmem>>
      %dma_wait3A_135 = tpu.memref_squeeze %dma_wait3A_134 : memref<1x128xi32, #tpu.memory_space<vmem>> -> memref<128xi32, #tpu.memory_space<vmem>>
      %dma_wait3A_136 = arith.constant 0 : i32
      %dma_wait3A_137 = arith.constant 0 : i32
      %dma_wait3A_138 = tpu.memref_slice %arg2[%dma_wait3A_136, %dma_wait3A_137] : memref<10000x128xf32, #tpu.memory_space<hbm>> -> memref<10000x128xf32, #tpu.memory_space<hbm>>
      tpu.wait_indirect_dma semaphore(%arg14 : memref<!tpu.dma_semaphore, #tpu.memory_space<semaphore_mem>>) src(%dma_wait3A_138 : memref<10000x128xf32, #tpu.memory_space<hbm>>) dst(%arg10 : memref<128x128xf32, #tpu.memory_space<vmem>>)
      %dma_wait3A_139 = arith.constant 0 : i32
      %dma_wait3A_140 = arith.constant 0 : i32
      %dma_wait3A_141 = tpu.memref_slice %arg7[%dma_wait3A_139, %dma_wait3A_140] : memref<16x128xi32, #tpu.memory_space<vmem>> -> memref<1x128xi32, #tpu.memory_space<vmem>>
      %dma_wait3A_142 = tpu.memref_squeeze %dma_wait3A_141 : memref<1x128xi32, #tpu.memory_space<vmem>> -> memref<128xi32, #tpu.memory_space<vmem>>
      %dma_wait3A_143 = arith.constant 0 : i32
      %dma_wait3A_144 = arith.constant 0 : i32
      %dma_wait3A_145 = tpu.memref_slice %arg12[%dma_wait3A_143, %dma_wait3A_144] : memref<10240x128xf32, #tpu.memory_space<vmem_shared>> -> memref<10240x128xf32, #tpu.memory_space<vmem_shared>>
      tpu.wait_indirect_dma semaphore(%arg15 : memref<!tpu.dma_semaphore, #tpu.memory_space<semaphore_mem>>) src(%arg9 : memref<128x128xf32, #tpu.memory_space<vmem>>) dst(%dma_wait3A_145 : memref<10240x128xf32, #tpu.memory_space<vmem_shared>>)
      %dma_start3A_146 = arith.constant 2 : i32
      %dma_start3A_147 = arith.constant 0 : i32
      %dma_start3A_148 = tpu.memref_slice %arg8[%dma_start3A_146, %dma_start3A_147] : memref<16x128xi32, #tpu.memory_space<vmem>> -> memref<1x128xi32, #tpu.memory_space<vmem>>
      %dma_start3A_149 = tpu.memref_squeeze %dma_start3A_148 : memref<1x128xi32, #tpu.memory_space<vmem>> -> memref<128xi32, #tpu.memory_space<vmem>>
      %dma_start3A_150 = arith.constant 0 : i32
      %dma_start3A_151 = arith.constant 0 : i32
      %dma_start3A_152 = tpu.memref_slice %arg2[%dma_start3A_150, %dma_start3A_151] : memref<10000x128xf32, #tpu.memory_space<hbm>> -> memref<10000x128xf32, #tpu.memory_space<hbm>>
      tpu.enqueue_indirect_dma source(%dma_start3A_152 : memref<10000x128xf32, #tpu.memory_space<hbm>>) target(%arg9 : memref<128x128xf32, #tpu.memory_space<vmem>>) offsets(%dma_start3A_149 : memref<128xi32, #tpu.memory_space<vmem>>) semaphore(%arg13 : memref<!tpu.dma_semaphore, #tpu.memory_space<semaphore_mem>>)
      %dma_start3A_153 = arith.constant 1 : i32
      %dma_start3A_154 = arith.constant 0 : i32
      %dma_start3A_155 = tpu.memref_slice %arg7[%dma_start3A_153, %dma_start3A_154] : memref<16x128xi32, #tpu.memory_space<vmem>> -> memref<1x128xi32, #tpu.memory_space<vmem>>
      %dma_start3A_156 = tpu.memref_squeeze %dma_start3A_155 : memref<1x128xi32, #tpu.memory_space<vmem>> -> memref<128xi32, #tpu.memory_space<vmem>>
      %dma_start3A_157 = arith.constant 0 : i32
      %dma_start3A_158 = arith.constant 0 : i32
      %dma_start3A_159 = tpu.memref_slice %arg12[%dma_start3A_157, %dma_start3A_158] : memref<10240x128xf32, #tpu.memory_space<vmem_shared>> -> memref<10240x128xf32, #tpu.memory_space<vmem_shared>>
      tpu.enqueue_indirect_dma source(%arg10 : memref<128x128xf32, #tpu.memory_space<vmem>>) target(%dma_start3A_159 : memref<10240x128xf32, #tpu.memory_space<vmem_shared>>) offsets(%dma_start3A_156 : memref<128xi32, #tpu.memory_space<vmem>>) semaphore(%arg16 : memref<!tpu.dma_semaphore, #tpu.memory_space<semaphore_mem>>) {add = true}
      %scan3A_160 = arith.constant 0 : i32
      %scan3A_161 = arith.constant 1 : i32
      %scan3A_162 = arith.constant 6 : i32
      %scan3A_163 = arith.addi %scan3A_161, %scan3A_162 : i32
      %scan3A_164 = arith.constant 1 : i32
      scf.for %scan3A_286 = %scan3A_161 to %scan3A_163 step %scan3A_164  : i32 {
        %mul3A_287 = arith.constant 2 : i32
        %mul3A_288 = arith.muli %mul3A_287, %scan3A_286 : i32
        %get3A_289 = arith.index_cast %mul3A_288 : i32 to index
        %get3A_290 = arith.constant 0 : index
        %get3A_291 = tpu.vector_load %arg7[%get3A_289, %get3A_290] {strides = array<i32>} : memref<16x128xi32, #tpu.memory_space<vmem>>, vector<16xi32>,
        tpu.vector_store_idx %arg11[%get3A_291], %broadcast_in_dim3A_18 {add = true} : memref<10240xi32, #tpu.memory_space<vmem>>[vector<16xi32>], vector<16xi32>,
        %get3A_292 = arith.index_cast %mul3A_288 : i32 to index
        %get3A_293 = arith.constant 16 : index
        %get3A_294 = tpu.vector_load %arg7[%get3A_292, %get3A_293] {strides = array<i32>} : memref<16x128xi32, #tpu.memory_space<vmem>>, vector<16xi32>,
        tpu.vector_store_idx %arg11[%get3A_294], %broadcast_in_dim3A_18 {add = true} : memref<10240xi32, #tpu.memory_space<vmem>>[vector<16xi32>], vector<16xi32>,
        %get3A_295 = arith.index_cast %mul3A_288 : i32 to index
        %get3A_296 = arith.constant 32 : index
        %get3A_297 = tpu.vector_load %arg7[%get3A_295, %get3A_296] {strides = array<i32>} : memref<16x128xi32, #tpu.memory_space<vmem>>, vector<16xi32>,
        tpu.vector_store_idx %arg11[%get3A_297], %broadcast_in_dim3A_18 {add = true} : memref<10240xi32, #tpu.memory_space<vmem>>[vector<16xi32>], vector<16xi32>,
        %get3A_298 = arith.index_cast %mul3A_288 : i32 to index
        %get3A_299 = arith.constant 48 : index
        %get3A_300 = tpu.vector_load %arg7[%get3A_298, %get3A_299] {strides = array<i32>} : memref<16x128xi32, #tpu.memory_space<vmem>>, vector<16xi32>,
        tpu.vector_store_idx %arg11[%get3A_300], %broadcast_in_dim3A_18 {add = true} : memref<10240xi32, #tpu.memory_space<vmem>>[vector<16xi32>], vector<16xi32>,
        %get3A_301 = arith.index_cast %mul3A_288 : i32 to index
        %get3A_302 = arith.constant 64 : index
        %get3A_303 = tpu.vector_load %arg7[%get3A_301, %get3A_302] {strides = array<i32>} : memref<16x128xi32, #tpu.memory_space<vmem>>, vector<16xi32>,
        tpu.vector_store_idx %arg11[%get3A_303], %broadcast_in_dim3A_18 {add = true} : memref<10240xi32, #tpu.memory_space<vmem>>[vector<16xi32>], vector<16xi32>,
        %get3A_304 = arith.index_cast %mul3A_288 : i32 to index
        %get3A_305 = arith.constant 80 : index
        %get3A_306 = tpu.vector_load %arg7[%get3A_304, %get3A_305] {strides = array<i32>} : memref<16x128xi32, #tpu.memory_space<vmem>>, vector<16xi32>,
        tpu.vector_store_idx %arg11[%get3A_306], %broadcast_in_dim3A_18 {add = true} : memref<10240xi32, #tpu.memory_space<vmem>>[vector<16xi32>], vector<16xi32>,
        %get3A_307 = arith.index_cast %mul3A_288 : i32 to index
        %get3A_308 = arith.constant 96 : index
        %get3A_309 = tpu.vector_load %arg7[%get3A_307, %get3A_308] {strides = array<i32>} : memref<16x128xi32, #tpu.memory_space<vmem>>, vector<16xi32>,
        tpu.vector_store_idx %arg11[%get3A_309], %broadcast_in_dim3A_18 {add = true} : memref<10240xi32, #tpu.memory_space<vmem>>[vector<16xi32>], vector<16xi32>,
        %get3A_310 = arith.index_cast %mul3A_288 : i32 to index
        %get3A_311 = arith.constant 112 : index
        %get3A_312 = tpu.vector_load %arg7[%get3A_310, %get3A_311] {strides = array<i32>} : memref<16x128xi32, #tpu.memory_space<vmem>>, vector<16xi32>,
        tpu.vector_store_idx %arg11[%get3A_312], %broadcast_in_dim3A_18 {add = true} : memref<10240xi32, #tpu.memory_space<vmem>>[vector<16xi32>], vector<16xi32>,
        %dma_wait3A_313 = arith.constant 0 : i32
        %dma_wait3A_314 = arith.constant 0 : i32
        %dma_wait3A_315 = tpu.memref_slice %arg8[%dma_wait3A_313, %dma_wait3A_314] : memref<16x128xi32, #tpu.memory_space<vmem>> -> memref<1x128xi32, #tpu.memory_space<vmem>>
        %dma_wait3A_316 = tpu.memref_squeeze %dma_wait3A_315 : memref<1x128xi32, #tpu.memory_space<vmem>> -> memref<128xi32, #tpu.memory_space<vmem>>
        %dma_wait3A_317 = arith.constant 0 : i32
        %dma_wait3A_318 = arith.constant 0 : i32
        %dma_wait3A_319 = tpu.memref_slice %arg2[%dma_wait3A_317, %dma_wait3A_318] : memref<10000x128xf32, #tpu.memory_space<hbm>> -> memref<10000x128xf32, #tpu.memory_space<hbm>>
        tpu.wait_indirect_dma semaphore(%arg13 : memref<!tpu.dma_semaphore, #tpu.memory_space<semaphore_mem>>) src(%dma_wait3A_319 : memref<10000x128xf32, #tpu.memory_space<hbm>>) dst(%arg9 : memref<128x128xf32, #tpu.memory_space<vmem>>)
        %dma_wait3A_320 = arith.constant 0 : i32
        %dma_wait3A_321 = arith.constant 0 : i32
        %dma_wait3A_322 = tpu.memref_slice %arg7[%dma_wait3A_320, %dma_wait3A_321] : memref<16x128xi32, #tpu.memory_space<vmem>> -> memref<1x128xi32, #tpu.memory_space<vmem>>
        %dma_wait3A_323 = tpu.memref_squeeze %dma_wait3A_322 : memref<1x128xi32, #tpu.memory_space<vmem>> -> memref<128xi32, #tpu.memory_space<vmem>>
        %dma_wait3A_324 = arith.constant 0 : i32
        %dma_wait3A_325 = arith.constant 0 : i32
        %dma_wait3A_326 = tpu.memref_slice %arg12[%dma_wait3A_324, %dma_wait3A_325] : memref<10240x128xf32, #tpu.memory_space<vmem_shared>> -> memref<10240x128xf32, #tpu.memory_space<vmem_shared>>
        tpu.wait_indirect_dma semaphore(%arg16 : memref<!tpu.dma_semaphore, #tpu.memory_space<semaphore_mem>>) src(%arg10 : memref<128x128xf32, #tpu.memory_space<vmem>>) dst(%dma_wait3A_326 : memref<10240x128xf32, #tpu.memory_space<vmem_shared>>)
        %add3A_327 = arith.constant 1 : i32
        %add3A_328 = arith.addi %mul3A_288, %add3A_327 : i32
        %dma_start3A_329 = arith.constant 0 : i32
        %dma_start3A_330 = tpu.memref_slice %arg8[%add3A_328, %dma_start3A_329] : memref<16x128xi32, #tpu.memory_space<vmem>> -> memref<1x128xi32, #tpu.memory_space<vmem>>
        %dma_start3A_331 = tpu.memref_squeeze %dma_start3A_330 : memref<1x128xi32, #tpu.memory_space<vmem>> -> memref<128xi32, #tpu.memory_space<vmem>>
        %dma_start3A_332 = arith.constant 0 : i32
        %dma_start3A_333 = arith.constant 0 : i32
        %dma_start3A_334 = tpu.memref_slice %arg2[%dma_start3A_332, %dma_start3A_333] : memref<10000x128xf32, #tpu.memory_space<hbm>> -> memref<10000x128xf32, #tpu.memory_space<hbm>>
        tpu.enqueue_indirect_dma source(%dma_start3A_334 : memref<10000x128xf32, #tpu.memory_space<hbm>>) target(%arg10 : memref<128x128xf32, #tpu.memory_space<vmem>>) offsets(%dma_start3A_331 : memref<128xi32, #tpu.memory_space<vmem>>) semaphore(%arg14 : memref<!tpu.dma_semaphore, #tpu.memory_space<semaphore_mem>>)
        %dma_start3A_335 = arith.constant 0 : i32
        %dma_start3A_336 = tpu.memref_slice %arg7[%mul3A_288, %dma_start3A_335] : memref<16x128xi32, #tpu.memory_space<vmem>> -> memref<1x128xi32, #tpu.memory_space<vmem>>
        %dma_start3A_337 = tpu.memref_squeeze %dma_start3A_336 : memref<1x128xi32, #tpu.memory_space<vmem>> -> memref<128xi32, #tpu.memory_space<vmem>>
        %dma_start3A_338 = arith.constant 0 : i32
        %dma_start3A_339 = arith.constant 0 : i32
        %dma_start3A_340 = tpu.memref_slice %arg12[%dma_start3A_338, %dma_start3A_339] : memref<10240x128xf32, #tpu.memory_space<vmem_shared>> -> memref<10240x128xf32, #tpu.memory_space<vmem_shared>>
        tpu.enqueue_indirect_dma source(%arg9 : memref<128x128xf32, #tpu.memory_space<vmem>>) target(%dma_start3A_340 : memref<10240x128xf32, #tpu.memory_space<vmem_shared>>) offsets(%dma_start3A_337 : memref<128xi32, #tpu.memory_space<vmem>>) semaphore(%arg15 : memref<!tpu.dma_semaphore, #tpu.memory_space<semaphore_mem>>) {add = true}
        %add3A_341 = arith.constant 1 : i32
        %add3A_342 = arith.addi %mul3A_288, %add3A_341 : i32
        %get3A_343 = arith.index_cast %add3A_342 : i32 to index
        %get3A_344 = arith.constant 0 : index
        %get3A_345 = tpu.vector_load %arg7[%get3A_343, %get3A_344] {strides = array<i32>} : memref<16x128xi32, #tpu.memory_space<vmem>>, vector<16xi32>,
        tpu.vector_store_idx %arg11[%get3A_345], %broadcast_in_dim3A_18 {add = true} : memref<10240xi32, #tpu.memory_space<vmem>>[vector<16xi32>], vector<16xi32>,
        %get3A_346 = arith.index_cast %add3A_342 : i32 to index
        %get3A_347 = arith.constant 16 : index
        %get3A_348 = tpu.vector_load %arg7[%get3A_346, %get3A_347] {strides = array<i32>} : memref<16x128xi32, #tpu.memory_space<vmem>>, vector<16xi32>,
        tpu.vector_store_idx %arg11[%get3A_348], %broadcast_in_dim3A_18 {add = true} : memref<10240xi32, #tpu.memory_space<vmem>>[vector<16xi32>], vector<16xi32>,
        %get3A_349 = arith.index_cast %add3A_342 : i32 to index
        %get3A_350 = arith.constant 32 : index
        %get3A_351 = tpu.vector_load %arg7[%get3A_349, %get3A_350] {strides = array<i32>} : memref<16x128xi32, #tpu.memory_space<vmem>>, vector<16xi32>,
        tpu.vector_store_idx %arg11[%get3A_351], %broadcast_in_dim3A_18 {add = true} : memref<10240xi32, #tpu.memory_space<vmem>>[vector<16xi32>], vector<16xi32>,
        %get3A_352 = arith.index_cast %add3A_342 : i32 to index
        %get3A_353 = arith.constant 48 : index
        %get3A_354 = tpu.vector_load %arg7[%get3A_352, %get3A_353] {strides = array<i32>} : memref<16x128xi32, #tpu.memory_space<vmem>>, vector<16xi32>,
        tpu.vector_store_idx %arg11[%get3A_354], %broadcast_in_dim3A_18 {add = true} : memref<10240xi32, #tpu.memory_space<vmem>>[vector<16xi32>], vector<16xi32>,
        %get3A_355 = arith.index_cast %add3A_342 : i32 to index
        %get3A_356 = arith.constant 64 : index
        %get3A_357 = tpu.vector_load %arg7[%get3A_355, %get3A_356] {strides = array<i32>} : memref<16x128xi32, #tpu.memory_space<vmem>>, vector<16xi32>,
        tpu.vector_store_idx %arg11[%get3A_357], %broadcast_in_dim3A_18 {add = true} : memref<10240xi32, #tpu.memory_space<vmem>>[vector<16xi32>], vector<16xi32>,
        %get3A_358 = arith.index_cast %add3A_342 : i32 to index
        %get3A_359 = arith.constant 80 : index
        %get3A_360 = tpu.vector_load %arg7[%get3A_358, %get3A_359] {strides = array<i32>} : memref<16x128xi32, #tpu.memory_space<vmem>>, vector<16xi32>,
        tpu.vector_store_idx %arg11[%get3A_360], %broadcast_in_dim3A_18 {add = true} : memref<10240xi32, #tpu.memory_space<vmem>>[vector<16xi32>], vector<16xi32>,
        %get3A_361 = arith.index_cast %add3A_342 : i32 to index
        %get3A_362 = arith.constant 96 : index
        %get3A_363 = tpu.vector_load %arg7[%get3A_361, %get3A_362] {strides = array<i32>} : memref<16x128xi32, #tpu.memory_space<vmem>>, vector<16xi32>,
        tpu.vector_store_idx %arg11[%get3A_363], %broadcast_in_dim3A_18 {add = true} : memref<10240xi32, #tpu.memory_space<vmem>>[vector<16xi32>], vector<16xi32>,
        %get3A_364 = arith.index_cast %add3A_342 : i32 to index
        %get3A_365 = arith.constant 112 : index
        %get3A_366 = tpu.vector_load %arg7[%get3A_364, %get3A_365] {strides = array<i32>} : memref<16x128xi32, #tpu.memory_space<vmem>>, vector<16xi32>,
        tpu.vector_store_idx %arg11[%get3A_366], %broadcast_in_dim3A_18 {add = true} : memref<10240xi32, #tpu.memory_space<vmem>>[vector<16xi32>], vector<16xi32>,
        %dma_wait3A_367 = arith.constant 0 : i32
        %dma_wait3A_368 = arith.constant 0 : i32
        %dma_wait3A_369 = tpu.memref_slice %arg8[%dma_wait3A_367, %dma_wait3A_368] : memref<16x128xi32, #tpu.memory_space<vmem>> -> memref<1x128xi32, #tpu.memory_space<vmem>>
        %dma_wait3A_370 = tpu.memref_squeeze %dma_wait3A_369 : memref<1x128xi32, #tpu.memory_space<vmem>> -> memref<128xi32, #tpu.memory_space<vmem>>
        %dma_wait3A_371 = arith.constant 0 : i32
        %dma_wait3A_372 = arith.constant 0 : i32
        %dma_wait3A_373 = tpu.memref_slice %arg2[%dma_wait3A_371, %dma_wait3A_372] : memref<10000x128xf32, #tpu.memory_space<hbm>> -> memref<10000x128xf32, #tpu.memory_space<hbm>>
        tpu.wait_indirect_dma semaphore(%arg14 : memref<!tpu.dma_semaphore, #tpu.memory_space<semaphore_mem>>) src(%dma_wait3A_373 : memref<10000x128xf32, #tpu.memory_space<hbm>>) dst(%arg10 : memref<128x128xf32, #tpu.memory_space<vmem>>)
        %dma_wait3A_374 = arith.constant 0 : i32
        %dma_wait3A_375 = arith.constant 0 : i32
        %dma_wait3A_376 = tpu.memref_slice %arg7[%dma_wait3A_374, %dma_wait3A_375] : memref<16x128xi32, #tpu.memory_space<vmem>> -> memref<1x128xi32, #tpu.memory_space<vmem>>
        %dma_wait3A_377 = tpu.memref_squeeze %dma_wait3A_376 : memref<1x128xi32, #tpu.memory_space<vmem>> -> memref<128xi32, #tpu.memory_space<vmem>>
        %dma_wait3A_378 = arith.constant 0 : i32
        %dma_wait3A_379 = arith.constant 0 : i32
        %dma_wait3A_380 = tpu.memref_slice %arg12[%dma_wait3A_378, %dma_wait3A_379] : memref<10240x128xf32, #tpu.memory_space<vmem_shared>> -> memref<10240x128xf32, #tpu.memory_space<vmem_shared>>
        tpu.wait_indirect_dma semaphore(%arg15 : memref<!tpu.dma_semaphore, #tpu.memory_space<semaphore_mem>>) src(%arg9 : memref<128x128xf32, #tpu.memory_space<vmem>>) dst(%dma_wait3A_380 : memref<10240x128xf32, #tpu.memory_space<vmem_shared>>)
        %add3A_381 = arith.constant 2 : i32
        %add3A_382 = arith.addi %mul3A_288, %add3A_381 : i32
        %dma_start3A_383 = arith.constant 0 : i32
        %dma_start3A_384 = tpu.memref_slice %arg8[%add3A_382, %dma_start3A_383] : memref<16x128xi32, #tpu.memory_space<vmem>> -> memref<1x128xi32, #tpu.memory_space<vmem>>
        %dma_start3A_385 = tpu.memref_squeeze %dma_start3A_384 : memref<1x128xi32, #tpu.memory_space<vmem>> -> memref<128xi32, #tpu.memory_space<vmem>>
        %dma_start3A_386 = arith.constant 0 : i32
        %dma_start3A_387 = arith.constant 0 : i32
        %dma_start3A_388 = tpu.memref_slice %arg2[%dma_start3A_386, %dma_start3A_387] : memref<10000x128xf32, #tpu.memory_space<hbm>> -> memref<10000x128xf32, #tpu.memory_space<hbm>>
        tpu.enqueue_indirect_dma source(%dma_start3A_388 : memref<10000x128xf32, #tpu.memory_space<hbm>>) target(%arg9 : memref<128x128xf32, #tpu.memory_space<vmem>>) offsets(%dma_start3A_385 : memref<128xi32, #tpu.memory_space<vmem>>) semaphore(%arg13 : memref<!tpu.dma_semaphore, #tpu.memory_space<semaphore_mem>>)
        %add3A_389 = arith.constant 1 : i32
        %add3A_390 = arith.addi %mul3A_288, %add3A_389 : i32
        %dma_start3A_391 = arith.constant 0 : i32
        %dma_start3A_392 = tpu.memref_slice %arg7[%add3A_390, %dma_start3A_391] : memref<16x128xi32, #tpu.memory_space<vmem>> -> memref<1x128xi32, #tpu.memory_space<vmem>>
        %dma_start3A_393 = tpu.memref_squeeze %dma_start3A_392 : memref<1x128xi32, #tpu.memory_space<vmem>> -> memref<128xi32, #tpu.memory_space<vmem>>
        %dma_start3A_394 = arith.constant 0 : i32
        %dma_start3A_395 = arith.constant 0 : i32
        %dma_start3A_396 = tpu.memref_slice %arg12[%dma_start3A_394, %dma_start3A_395] : memref<10240x128xf32, #tpu.memory_space<vmem_shared>> -> memref<10240x128xf32, #tpu.memory_space<vmem_shared>>
        tpu.enqueue_indirect_dma source(%arg10 : memref<128x128xf32, #tpu.memory_space<vmem>>) target(%dma_start3A_396 : memref<10240x128xf32, #tpu.memory_space<vmem_shared>>) offsets(%dma_start3A_393 : memref<128xi32, #tpu.memory_space<vmem>>) semaphore(%arg16 : memref<!tpu.dma_semaphore, #tpu.memory_space<semaphore_mem>>) {add = true}
      }
      %scan3A_165 = arith.constant 6 : i32
      %get3A_166 = arith.constant 14 : i32
      %get3A_167 = arith.index_cast %get3A_166 : i32 to index
      %get3A_168 = arith.constant 0 : index
      %get3A_169 = tpu.vector_load %arg7[%get3A_167, %get3A_168] {strides = array<i32>} : memref<16x128xi32, #tpu.memory_space<vmem>>, vector<16xi32>,
      tpu.vector_store_idx %arg11[%get3A_169], %broadcast_in_dim3A_18 {add = true} : memref<10240xi32, #tpu.memory_space<vmem>>[vector<16xi32>], vector<16xi32>,
      %get3A_170 = arith.constant 14 : i32
      %get3A_171 = arith.index_cast %get3A_170 : i32 to index
      %get3A_172 = arith.constant 16 : index
      %get3A_173 = tpu.vector_load %arg7[%get3A_171, %get3A_172] {strides = array<i32>} : memref<16x128xi32, #tpu.memory_space<vmem>>, vector<16xi32>,
      tpu.vector_store_idx %arg11[%get3A_173], %broadcast_in_dim3A_18 {add = true} : memref<10240xi32, #tpu.memory_space<vmem>>[vector<16xi32>], vector<16xi32>,
      %get3A_174 = arith.constant 14 : i32
      %get3A_175 = arith.index_cast %get3A_174 : i32 to index
      %get3A_176 = arith.constant 32 : index
      %get3A_177 = tpu.vector_load %arg7[%get3A_175, %get3A_176] {strides = array<i32>} : memref<16x128xi32, #tpu.memory_space<vmem>>, vector<16xi32>,
      tpu.vector_store_idx %arg11[%get3A_177], %broadcast_in_dim3A_18 {add = true} : memref<10240xi32, #tpu.memory_space<vmem>>[vector<16xi32>], vector<16xi32>,
      %get3A_178 = arith.constant 14 : i32
      %get3A_179 = arith.index_cast %get3A_178 : i32 to index
      %get3A_180 = arith.constant 48 : index
      %get3A_181 = tpu.vector_load %arg7[%get3A_179, %get3A_180] {strides = array<i32>} : memref<16x128xi32, #tpu.memory_space<vmem>>, vector<16xi32>,
      tpu.vector_store_idx %arg11[%get3A_181], %broadcast_in_dim3A_18 {add = true} : memref<10240xi32, #tpu.memory_space<vmem>>[vector<16xi32>], vector<16xi32>,
      %get3A_182 = arith.constant 14 : i32
      %get3A_183 = arith.index_cast %get3A_182 : i32 to index
      %get3A_184 = arith.constant 64 : index
      %get3A_185 = tpu.vector_load %arg7[%get3A_183, %get3A_184] {strides = array<i32>} : memref<16x128xi32, #tpu.memory_space<vmem>>, vector<16xi32>,
      tpu.vector_store_idx %arg11[%get3A_185], %broadcast_in_dim3A_18 {add = true} : memref<10240xi32, #tpu.memory_space<vmem>>[vector<16xi32>], vector<16xi32>,
      %get3A_186 = arith.constant 14 : i32
      %get3A_187 = arith.index_cast %get3A_186 : i32 to index
      %get3A_188 = arith.constant 80 : index
      %get3A_189 = tpu.vector_load %arg7[%get3A_187, %get3A_188] {strides = array<i32>} : memref<16x128xi32, #tpu.memory_space<vmem>>, vector<16xi32>,
      tpu.vector_store_idx %arg11[%get3A_189], %broadcast_in_dim3A_18 {add = true} : memref<10240xi32, #tpu.memory_space<vmem>>[vector<16xi32>], vector<16xi32>,
      %get3A_190 = arith.constant 14 : i32
      %get3A_191 = arith.index_cast %get3A_190 : i32 to index
      %get3A_192 = arith.constant 96 : index
      %get3A_193 = tpu.vector_load %arg7[%get3A_191, %get3A_192] {strides = array<i32>} : memref<16x128xi32, #tpu.memory_space<vmem>>, vector<16xi32>,
      tpu.vector_store_idx %arg11[%get3A_193], %broadcast_in_dim3A_18 {add = true} : memref<10240xi32, #tpu.memory_space<vmem>>[vector<16xi32>], vector<16xi32>,
      %get3A_194 = arith.constant 14 : i32
      %get3A_195 = arith.index_cast %get3A_194 : i32 to index
      %get3A_196 = arith.constant 112 : index
      %get3A_197 = tpu.vector_load %arg7[%get3A_195, %get3A_196] {strides = array<i32>} : memref<16x128xi32, #tpu.memory_space<vmem>>, vector<16xi32>,
      tpu.vector_store_idx %arg11[%get3A_197], %broadcast_in_dim3A_18 {add = true} : memref<10240xi32, #tpu.memory_space<vmem>>[vector<16xi32>], vector<16xi32>,
      %dma_wait3A_198 = arith.constant 0 : i32
      %dma_wait3A_199 = arith.constant 0 : i32
      %dma_wait3A_200 = tpu.memref_slice %arg8[%dma_wait3A_198, %dma_wait3A_199] : memref<16x128xi32, #tpu.memory_space<vmem>> -> memref<1x128xi32, #tpu.memory_space<vmem>>
      %dma_wait3A_201 = tpu.memref_squeeze %dma_wait3A_200 : memref<1x128xi32, #tpu.memory_space<vmem>> -> memref<128xi32, #tpu.memory_space<vmem>>
      %dma_wait3A_202 = arith.constant 0 : i32
      %dma_wait3A_203 = arith.constant 0 : i32
      %dma_wait3A_204 = tpu.memref_slice %arg2[%dma_wait3A_202, %dma_wait3A_203] : memref<10000x128xf32, #tpu.memory_space<hbm>> -> memref<10000x128xf32, #tpu.memory_space<hbm>>
      tpu.wait_indirect_dma semaphore(%arg13 : memref<!tpu.dma_semaphore, #tpu.memory_space<semaphore_mem>>) src(%dma_wait3A_204 : memref<10000x128xf32, #tpu.memory_space<hbm>>) dst(%arg9 : memref<128x128xf32, #tpu.memory_space<vmem>>)
      %dma_wait3A_205 = arith.constant 0 : i32
      %dma_wait3A_206 = arith.constant 0 : i32
      %dma_wait3A_207 = tpu.memref_slice %arg7[%dma_wait3A_205, %dma_wait3A_206] : memref<16x128xi32, #tpu.memory_space<vmem>> -> memref<1x128xi32, #tpu.memory_space<vmem>>
      %dma_wait3A_208 = tpu.memref_squeeze %dma_wait3A_207 : memref<1x128xi32, #tpu.memory_space<vmem>> -> memref<128xi32, #tpu.memory_space<vmem>>
      %dma_wait3A_209 = arith.constant 0 : i32
      %dma_wait3A_210 = arith.constant 0 : i32
      %dma_wait3A_211 = tpu.memref_slice %arg12[%dma_wait3A_209, %dma_wait3A_210] : memref<10240x128xf32, #tpu.memory_space<vmem_shared>> -> memref<10240x128xf32, #tpu.memory_space<vmem_shared>>
      tpu.wait_indirect_dma semaphore(%arg16 : memref<!tpu.dma_semaphore, #tpu.memory_space<semaphore_mem>>) src(%arg10 : memref<128x128xf32, #tpu.memory_space<vmem>>) dst(%dma_wait3A_211 : memref<10240x128xf32, #tpu.memory_space<vmem_shared>>)
      %dma_start3A_212 = arith.constant 15 : i32
      %dma_start3A_213 = arith.constant 0 : i32
      %dma_start3A_214 = tpu.memref_slice %arg8[%dma_start3A_212, %dma_start3A_213] : memref<16x128xi32, #tpu.memory_space<vmem>> -> memref<1x128xi32, #tpu.memory_space<vmem>>
      %dma_start3A_215 = tpu.memref_squeeze %dma_start3A_214 : memref<1x128xi32, #tpu.memory_space<vmem>> -> memref<128xi32, #tpu.memory_space<vmem>>
      %dma_start3A_216 = arith.constant 0 : i32
      %dma_start3A_217 = arith.constant 0 : i32
      %dma_start3A_218 = tpu.memref_slice %arg2[%dma_start3A_216, %dma_start3A_217] : memref<10000x128xf32, #tpu.memory_space<hbm>> -> memref<10000x128xf32, #tpu.memory_space<hbm>>
      tpu.enqueue_indirect_dma source(%dma_start3A_218 : memref<10000x128xf32, #tpu.memory_space<hbm>>) target(%arg10 : memref<128x128xf32, #tpu.memory_space<vmem>>) offsets(%dma_start3A_215 : memref<128xi32, #tpu.memory_space<vmem>>) semaphore(%arg14 : memref<!tpu.dma_semaphore, #tpu.memory_space<semaphore_mem>>)
      %dma_start3A_219 = arith.constant 14 : i32
      %dma_start3A_220 = arith.constant 0 : i32
      %dma_start3A_221 = tpu.memref_slice %arg7[%dma_start3A_219, %dma_start3A_220] : memref<16x128xi32, #tpu.memory_space<vmem>> -> memref<1x128xi32, #tpu.memory_space<vmem>>
      %dma_start3A_222 = tpu.memref_squeeze %dma_start3A_221 : memref<1x128xi32, #tpu.memory_space<vmem>> -> memref<128xi32, #tpu.memory_space<vmem>>
      %dma_start3A_223 = arith.constant 0 : i32
      %dma_start3A_224 = arith.constant 0 : i32
      %dma_start3A_225 = tpu.memref_slice %arg12[%dma_start3A_223, %dma_start3A_224] : memref<10240x128xf32, #tpu.memory_space<vmem_shared>> -> memref<10240x128xf32, #tpu.memory_space<vmem_shared>>
      tpu.enqueue_indirect_dma source(%arg9 : memref<128x128xf32, #tpu.memory_space<vmem>>) target(%dma_start3A_225 : memref<10240x128xf32, #tpu.memory_space<vmem_shared>>) offsets(%dma_start3A_222 : memref<128xi32, #tpu.memory_space<vmem>>) semaphore(%arg15 : memref<!tpu.dma_semaphore, #tpu.memory_space<semaphore_mem>>) {add = true}
      %get3A_226 = arith.constant 15 : i32
      %get3A_227 = arith.index_cast %get3A_226 : i32 to index
      %get3A_228 = arith.constant 0 : index
      %get3A_229 = tpu.vector_load %arg7[%get3A_227, %get3A_228] {strides = array<i32>} : memref<16x128xi32, #tpu.memory_space<vmem>>, vector<16xi32>,
      tpu.vector_store_idx %arg11[%get3A_229], %broadcast_in_dim3A_18 {add = true} : memref<10240xi32, #tpu.memory_space<vmem>>[vector<16xi32>], vector<16xi32>,
      %get3A_230 = arith.constant 15 : i32
      %get3A_231 = arith.index_cast %get3A_230 : i32 to index
      %get3A_232 = arith.constant 16 : index
      %get3A_233 = tpu.vector_load %arg7[%get3A_231, %get3A_232] {strides = array<i32>} : memref<16x128xi32, #tpu.memory_space<vmem>>, vector<16xi32>,
      tpu.vector_store_idx %arg11[%get3A_233], %broadcast_in_dim3A_18 {add = true} : memref<10240xi32, #tpu.memory_space<vmem>>[vector<16xi32>], vector<16xi32>,
      %get3A_234 = arith.constant 15 : i32
      %get3A_235 = arith.index_cast %get3A_234 : i32 to index
      %get3A_236 = arith.constant 32 : index
      %get3A_237 = tpu.vector_load %arg7[%get3A_235, %get3A_236] {strides = array<i32>} : memref<16x128xi32, #tpu.memory_space<vmem>>, vector<16xi32>,
      tpu.vector_store_idx %arg11[%get3A_237], %broadcast_in_dim3A_18 {add = true} : memref<10240xi32, #tpu.memory_space<vmem>>[vector<16xi32>], vector<16xi32>,
      %get3A_238 = arith.constant 15 : i32
      %get3A_239 = arith.index_cast %get3A_238 : i32 to index
      %get3A_240 = arith.constant 48 : index
      %get3A_241 = tpu.vector_load %arg7[%get3A_239, %get3A_240] {strides = array<i32>} : memref<16x128xi32, #tpu.memory_space<vmem>>, vector<16xi32>,
      tpu.vector_store_idx %arg11[%get3A_241], %broadcast_in_dim3A_18 {add = true} : memref<10240xi32, #tpu.memory_space<vmem>>[vector<16xi32>], vector<16xi32>,
      %get3A_242 = arith.constant 15 : i32
      %get3A_243 = arith.index_cast %get3A_242 : i32 to index
      %get3A_244 = arith.constant 64 : index
      %get3A_245 = tpu.vector_load %arg7[%get3A_243, %get3A_244] {strides = array<i32>} : memref<16x128xi32, #tpu.memory_space<vmem>>, vector<16xi32>,
      tpu.vector_store_idx %arg11[%get3A_245], %broadcast_in_dim3A_18 {add = true} : memref<10240xi32, #tpu.memory_space<vmem>>[vector<16xi32>], vector<16xi32>,
      %get3A_246 = arith.constant 15 : i32
      %get3A_247 = arith.index_cast %get3A_246 : i32 to index
      %get3A_248 = arith.constant 80 : index
      %get3A_249 = tpu.vector_load %arg7[%get3A_247, %get3A_248] {strides = array<i32>} : memref<16x128xi32, #tpu.memory_space<vmem>>, vector<16xi32>,
      tpu.vector_store_idx %arg11[%get3A_249], %broadcast_in_dim3A_18 {add = true} : memref<10240xi32, #tpu.memory_space<vmem>>[vector<16xi32>], vector<16xi32>,
      %get3A_250 = arith.constant 15 : i32
      %get3A_251 = arith.index_cast %get3A_250 : i32 to index
      %get3A_252 = arith.constant 96 : index
      %get3A_253 = tpu.vector_load %arg7[%get3A_251, %get3A_252] {strides = array<i32>} : memref<16x128xi32, #tpu.memory_space<vmem>>, vector<16xi32>,
      tpu.vector_store_idx %arg11[%get3A_253], %broadcast_in_dim3A_18 {add = true} : memref<10240xi32, #tpu.memory_space<vmem>>[vector<16xi32>], vector<16xi32>,
      %get3A_254 = arith.constant 15 : i32
      %get3A_255 = arith.index_cast %get3A_254 : i32 to index
      %get3A_256 = arith.constant 112 : index
      %get3A_257 = tpu.vector_load %arg7[%get3A_255, %get3A_256] {strides = array<i32>} : memref<16x128xi32, #tpu.memory_space<vmem>>, vector<16xi32>,
      tpu.vector_store_idx %arg11[%get3A_257], %broadcast_in_dim3A_18 {add = true} : memref<10240xi32, #tpu.memory_space<vmem>>[vector<16xi32>], vector<16xi32>,
      %dma_wait3A_258 = arith.constant 0 : i32
      %dma_wait3A_259 = arith.constant 0 : i32
      %dma_wait3A_260 = tpu.memref_slice %arg8[%dma_wait3A_258, %dma_wait3A_259] : memref<16x128xi32, #tpu.memory_space<vmem>> -> memref<1x128xi32, #tpu.memory_space<vmem>>
      %dma_wait3A_261 = tpu.memref_squeeze %dma_wait3A_260 : memref<1x128xi32, #tpu.memory_space<vmem>> -> memref<128xi32, #tpu.memory_space<vmem>>
      %dma_wait3A_262 = arith.constant 0 : i32
      %dma_wait3A_263 = arith.constant 0 : i32
      %dma_wait3A_264 = tpu.memref_slice %arg2[%dma_wait3A_262, %dma_wait3A_263] : memref<10000x128xf32, #tpu.memory_space<hbm>> -> memref<10000x128xf32, #tpu.memory_space<hbm>>
      tpu.wait_indirect_dma semaphore(%arg14 : memref<!tpu.dma_semaphore, #tpu.memory_space<semaphore_mem>>) src(%dma_wait3A_264 : memref<10000x128xf32, #tpu.memory_space<hbm>>) dst(%arg10 : memref<128x128xf32, #tpu.memory_space<vmem>>)
      %dma_wait3A_265 = arith.constant 0 : i32
      %dma_wait3A_266 = arith.constant 0 : i32
      %dma_wait3A_267 = tpu.memref_slice %arg7[%dma_wait3A_265, %dma_wait3A_266] : memref<16x128xi32, #tpu.memory_space<vmem>> -> memref<1x128xi32, #tpu.memory_space<vmem>>
      %dma_wait3A_268 = tpu.memref_squeeze %dma_wait3A_267 : memref<1x128xi32, #tpu.memory_space<vmem>> -> memref<128xi32, #tpu.memory_space<vmem>>
      %dma_wait3A_269 = arith.constant 0 : i32
      %dma_wait3A_270 = arith.constant 0 : i32
      %dma_wait3A_271 = tpu.memref_slice %arg12[%dma_wait3A_269, %dma_wait3A_270] : memref<10240x128xf32, #tpu.memory_space<vmem_shared>> -> memref<10240x128xf32, #tpu.memory_space<vmem_shared>>
      tpu.wait_indirect_dma semaphore(%arg15 : memref<!tpu.dma_semaphore, #tpu.memory_space<semaphore_mem>>) src(%arg9 : memref<128x128xf32, #tpu.memory_space<vmem>>) dst(%dma_wait3A_271 : memref<10240x128xf32, #tpu.memory_space<vmem_shared>>)
      %dma_start3A_272 = arith.constant 15 : i32
      %dma_start3A_273 = arith.constant 0 : i32
      %dma_start3A_274 = tpu.memref_slice %arg7[%dma_start3A_272, %dma_start3A_273] : memref<16x128xi32, #tpu.memory_space<vmem>> -> memref<1x128xi32, #tpu.memory_space<vmem>>
      %dma_start3A_275 = tpu.memref_squeeze %dma_start3A_274 : memref<1x128xi32, #tpu.memory_space<vmem>> -> memref<128xi32, #tpu.memory_space<vmem>>
      %dma_start3A_276 = arith.constant 0 : i32
      %dma_start3A_277 = arith.constant 0 : i32
      %dma_start3A_278 = tpu.memref_slice %arg12[%dma_start3A_276, %dma_start3A_277] : memref<10240x128xf32, #tpu.memory_space<vmem_shared>> -> memref<10240x128xf32, #tpu.memory_space<vmem_shared>>
      tpu.enqueue_indirect_dma source(%arg10 : memref<128x128xf32, #tpu.memory_space<vmem>>) target(%dma_start3A_278 : memref<10240x128xf32, #tpu.memory_space<vmem_shared>>) offsets(%dma_start3A_275 : memref<128xi32, #tpu.memory_space<vmem>>) semaphore(%arg16 : memref<!tpu.dma_semaphore, #tpu.memory_space<semaphore_mem>>) {add = true}
      %dma_wait3A_279 = arith.constant 0 : i32
      %dma_wait3A_280 = arith.constant 0 : i32
      %dma_wait3A_281 = tpu.memref_slice %arg7[%dma_wait3A_279, %dma_wait3A_280] : memref<16x128xi32, #tpu.memory_space<vmem>> -> memref<1x128xi32, #tpu.memory_space<vmem>>
      %dma_wait3A_282 = tpu.memref_squeeze %dma_wait3A_281 : memref<1x128xi32, #tpu.memory_space<vmem>> -> memref<128xi32, #tpu.memory_space<vmem>>
      %dma_wait3A_283 = arith.constant 0 : i32
      %dma_wait3A_284 = arith.constant 0 : i32
      %dma_wait3A_285 = tpu.memref_slice %arg12[%dma_wait3A_283, %dma_wait3A_284] : memref<10240x128xf32, #tpu.memory_space<vmem_shared>> -> memref<10240x128xf32, #tpu.memory_space<vmem_shared>>
      tpu.wait_indirect_dma semaphore(%arg16 : memref<!tpu.dma_semaphore, #tpu.memory_space<semaphore_mem>>) src(%arg10 : memref<128x128xf32, #tpu.memory_space<vmem>>) dst(%dma_wait3A_285 : memref<10240x128xf32, #tpu.memory_space<vmem_shared>>)
    }
    %scan3A_24 = arith.constant 5 : i32
    %barrier3A_25 = arith.constant 0 : index
    tpu.barrier barrier_id(%barrier3A_25)
    %scan3A_26 = arith.constant 0 : i32
    %scan3A_27 = arith.constant 0 : i32
    %scan3A_28 = arith.constant 5 : i32
    %scan3A_29 = arith.addi %scan3A_27, %scan3A_28 : i32
    %scan3A_30 = arith.constant 1 : i32
    scf.for %scan3A_32 = %scan3A_27 to %scan3A_29 step %scan3A_30  : i32 {
      %mul3A_33 = arith.constant 640 : i32
      %mul3A_34 = arith.muli %arg1, %mul3A_33 : i32
      %mul3A_35 = arith.constant 128 : i32
      %mul3A_36 = arith.muli %scan3A_32, %mul3A_35 : i32
      %add3A_37 = arith.addi %mul3A_34, %mul3A_36 : i32
      "tpu.region"() ({
        %run_scoped3A = tpu.sem_alloc : memref<!tpu.dma_semaphore, #tpu.memory_space<semaphore_mem>>
        %dma_start3A = arith.constant 0 : i32
        %dma_start3A_38 = tpu.memref_slice %arg12[%add3A_37, %dma_start3A] : memref<10240x128xf32, #tpu.memory_space<vmem_shared>> -> memref<128x128xf32, #tpu.memory_space<vmem_shared>>
        %dma_start3A_39 = arith.constant 0 : i32
        %dma_start3A_40 = tpu.memref_slice %arg12[%add3A_37, %dma_start3A_39] : memref<10240x128xf32, #tpu.memory_space<vmem_shared>> -> memref<128x128xf32, #tpu.memory_space<vmem_shared>>
        tpu.enqueue_dma source(%dma_start3A_40 : memref<128x128xf32, #tpu.memory_space<vmem_shared>>) target(%arg9 : memref<128x128xf32, #tpu.memory_space<vmem>>) target_semaphore(%run_scoped3A : memref<!tpu.dma_semaphore, #tpu.memory_space<semaphore_mem>>)
        %dma_wait3A = arith.constant 0 : i32
        %dma_wait3A_41 = tpu.memref_slice %arg12[%add3A_37, %dma_wait3A] : memref<10240x128xf32, #tpu.memory_space<vmem_shared>> -> memref<128x128xf32, #tpu.memory_space<vmem_shared>>
        %dma_wait3A_42 = arith.constant 0 : i32
        %dma_wait3A_43 = tpu.memref_slice %arg12[%add3A_37, %dma_wait3A_42] : memref<10240x128xf32, #tpu.memory_space<vmem_shared>> -> memref<128x128xf32, #tpu.memory_space<vmem_shared>>
        tpu.wait_dma2 semaphore(%run_scoped3A : memref<!tpu.dma_semaphore, #tpu.memory_space<semaphore_mem>>) src(%dma_wait3A_43 : memref<128x128xf32, #tpu.memory_space<vmem_shared>>) dst(%arg9 : memref<128x128xf32, #tpu.memory_space<vmem>>)
        tpu.yield
      }) : () -> ()
      "tpu.region"() ({
        %run_scoped3A = tpu.sem_alloc : memref<!tpu.dma_semaphore, #tpu.memory_space<semaphore_mem>>
        %dma_start3A = arith.constant 0 : i32
        %dma_start3A_38 = tpu.memref_slice %arg5[%arg0, %add3A_37, %dma_start3A] : memref<2x10240x128xf32, #tpu.memory_space<hbm>> -> memref<1x128x128xf32, #tpu.memory_space<hbm>>
        %dma_start3A_39 = tpu.memref_squeeze %dma_start3A_38 : memref<1x128x128xf32, #tpu.memory_space<hbm>> -> memref<128x128xf32, #tpu.memory_space<hbm>>
        %dma_start3A_40 = arith.constant 0 : i32
        %dma_start3A_41 = tpu.memref_slice %arg5[%arg0, %add3A_37, %dma_start3A_40] : memref<2x10240x128xf32, #tpu.memory_space<hbm>> -> memref<1x128x128xf32, #tpu.memory_space<hbm>>
        %dma_start3A_42 = tpu.memref_squeeze %dma_start3A_41 : memref<1x128x128xf32, #tpu.memory_space<hbm>> -> memref<128x128xf32, #tpu.memory_space<hbm>>
        tpu.enqueue_dma source(%arg9 : memref<128x128xf32, #tpu.memory_space<vmem>>) target(%dma_start3A_42 : memref<128x128xf32, #tpu.memory_space<hbm>>) target_semaphore(%run_scoped3A : memref<!tpu.dma_semaphore, #tpu.memory_space<semaphore_mem>>)
        %dma_wait3A = arith.constant 0 : i32
        %dma_wait3A_43 = tpu.memref_slice %arg5[%arg0, %add3A_37, %dma_wait3A] : memref<2x10240x128xf32, #tpu.memory_space<hbm>> -> memref<1x128x128xf32, #tpu.memory_space<hbm>>
        %dma_wait3A_44 = tpu.memref_squeeze %dma_wait3A_43 : memref<1x128x128xf32, #tpu.memory_space<hbm>> -> memref<128x128xf32, #tpu.memory_space<hbm>>
        %dma_wait3A_45 = arith.constant 0 : i32
        %dma_wait3A_46 = tpu.memref_slice %arg5[%arg0, %add3A_37, %dma_wait3A_45] : memref<2x10240x128xf32, #tpu.memory_space<hbm>> -> memref<1x128x128xf32, #tpu.memory_space<hbm>>
        %dma_wait3A_47 = tpu.memref_squeeze %dma_wait3A_46 : memref<1x128x128xf32, #tpu.memory_space<hbm>> -> memref<128x128xf32, #tpu.memory_space<hbm>>
        tpu.wait_dma2 semaphore(%run_scoped3A : memref<!tpu.dma_semaphore, #tpu.memory_space<semaphore_mem>>) src(%arg9 : memref<128x128xf32, #tpu.memory_space<vmem>>) dst(%dma_wait3A_47 : memref<128x128xf32, #tpu.memory_space<hbm>>)
        tpu.yield
      }) : () -> ()
    }
    %scan3A_31 = arith.constant 5 : i32
    "tpu.region"() ({
      %run_scoped3A = tpu.sem_alloc : memref<!tpu.dma_semaphore, #tpu.memory_space<semaphore_mem>>
      %dma_start3A = arith.constant 0 : i32
      %dma_start3A_32 = tpu.memref_slice %arg6[%add3A, %dma_start3A] : memref<32x10240xi32, #tpu.memory_space<hbm>> -> memref<1x10240xi32, #tpu.memory_space<hbm>>
      %dma_start3A_33 = tpu.memref_squeeze %dma_start3A_32 : memref<1x10240xi32, #tpu.memory_space<hbm>> -> memref<10240xi32, #tpu.memory_space<hbm>>
      %dma_start3A_34 = arith.constant 0 : i32
      %dma_start3A_35 = tpu.memref_slice %arg6[%add3A, %dma_start3A_34] : memref<32x10240xi32, #tpu.memory_space<hbm>> -> memref<1x10240xi32, #tpu.memory_space<hbm>>
      %dma_start3A_36 = tpu.memref_squeeze %dma_start3A_35 : memref<1x10240xi32, #tpu.memory_space<hbm>> -> memref<10240xi32, #tpu.memory_space<hbm>>
      tpu.enqueue_dma source(%arg11 : memref<10240xi32, #tpu.memory_space<vmem>>) target(%dma_start3A_36 : memref<10240xi32, #tpu.memory_space<hbm>>) target_semaphore(%run_scoped3A : memref<!tpu.dma_semaphore, #tpu.memory_space<semaphore_mem>>)
      %dma_wait3A = arith.constant 0 : i32
      %dma_wait3A_37 = tpu.memref_slice %arg6[%add3A, %dma_wait3A] : memref<32x10240xi32, #tpu.memory_space<hbm>> -> memref<1x10240xi32, #tpu.memory_space<hbm>>
      %dma_wait3A_38 = tpu.memref_squeeze %dma_wait3A_37 : memref<1x10240xi32, #tpu.memory_space<hbm>> -> memref<10240xi32, #tpu.memory_space<hbm>>
      %dma_wait3A_39 = arith.constant 0 : i32
      %dma_wait3A_40 = tpu.memref_slice %arg6[%add3A, %dma_wait3A_39] : memref<32x10240xi32, #tpu.memory_space<hbm>> -> memref<1x10240xi32, #tpu.memory_space<hbm>>
      %dma_wait3A_41 = tpu.memref_squeeze %dma_wait3A_40 : memref<1x10240xi32, #tpu.memory_space<hbm>> -> memref<10240xi32, #tpu.memory_space<hbm>>
      tpu.wait_dma2 semaphore(%run_scoped3A : memref<!tpu.dma_semaphore, #tpu.memory_space<semaphore_mem>>) src(%arg11 : memref<10240xi32, #tpu.memory_space<vmem>>) dst(%dma_wait3A_41 : memref<10240xi32, #tpu.memory_space<hbm>>)
      tpu.yield
    }) : () -> ()
    return
  }
}

module attributes {stable_mosaic.version = 14 : i64} {
  func.func @_proj_k_body(%arg0: i32, %arg1: memref<1000x128xf32, #tpu.memory_space<vmem>>, %arg2: memref<128x128xf32, #tpu.memory_space<vmem>>, %arg3: memref<1x128xf32, #tpu.memory_space<vmem>>, %arg4: memref<1000x128xf32, #tpu.memory_space<vmem>>) attributes {dimension_semantics = [#tpu.dimension_semantics<arbitrary>], iteration_bounds = array<i64: 10>, scalar_prefetch = 0 : i64, scratch_operands = 0 : i64, tpu.core_type = #tpu.core_type<tc>, window_params = [{transform_indices = @transform_0, window_bounds = array<i64: 1000, 128>}, {pipeline_mode = #tpu.pipeline_mode<synchronous>, transform_indices = @transform_1, window_bounds = array<i64: 128, 128>}, {pipeline_mode = #tpu.pipeline_mode<synchronous>, transform_indices = @transform_2, window_bounds = array<i64: 1, 128>}, {transform_indices = @transform_3, window_bounds = array<i64: 1000, 128>}]} {
    %get3A = arith.constant 0 : index
    %get3A_0 = arith.constant 0 : index
    %get3A_1 = vector.load %arg1[%get3A, %get3A_0] : memref<1000x128xf32, #tpu.memory_space<vmem>>, vector<1000x128xf32>
    %get3A_2 = arith.constant 0 : index
    %get3A_3 = arith.constant 0 : index
    %get3A_4 = vector.load %arg2[%get3A_2, %get3A_3] : memref<128x128xf32, #tpu.memory_space<vmem>>, vector<128x128xf32>
    %dot_general3A = arith.constant dense<0.000000e+00> : vector<1000x128xf32>
    %dot_general3A_5 = tpu.matmul %get3A_1, %get3A_4, %dot_general3A {dimension_numbers = #tpu.dot_dimension_numbers<[1], [0], [0], [1], [0, 0, 1, 1], [], []>, transpose_lhs_hint = false} : vector<1000x128xf32>, vector<128x128xf32>, vector<1000x128xf32> -> vector<1000x128xf32>
    %get3A_6 = arith.constant 0 : index
    %get3A_7 = arith.constant 0 : index
    %get3A_8 = vector.load %arg3[%get3A_6, %get3A_7] : memref<1x128xf32, #tpu.memory_space<vmem>>, vector<1x128xf32>
    %add3A = vector.broadcast %get3A_8 : vector<1x128xf32> to vector<1000x128xf32>
    %add3A_9 = arith.addf %dot_general3A_5, %add3A : vector<1000x128xf32>
    %swap3A = arith.constant 0 : index
    %swap3A_10 = arith.constant 0 : index
    %swap3A_11 = vector.load %arg4[%swap3A, %swap3A_10] : memref<1000x128xf32, #tpu.memory_space<vmem>>, vector<1000x128xf32>
    tpu.vector_store %arg4[%swap3A, %swap3A_10], %add3A_9 {strides = array<i32>} : memref<1000x128xf32, #tpu.memory_space<vmem>>, vector<1000x128xf32>,
    return
  }
  func.func @transform_0(%arg0: i32) -> (i32, i32) {
    %c0_i32 = arith.constant 0 : i32
    %c0_i32_0 = arith.constant 0 : i32
    return %arg0, %c0_i32 : i32, i32
  }
  func.func @transform_1(%arg0: i32) -> (i32, i32) {
    %c0_i32 = arith.constant 0 : i32
    %c0_i32_0 = arith.constant 0 : i32
    %c0_i32_1 = arith.constant 0 : i32
    return %c0_i32, %c0_i32_0 : i32, i32
  }
  func.func @transform_2(%arg0: i32) -> (i32, i32) {
    %c0_i32 = arith.constant 0 : i32
    %c0_i32_0 = arith.constant 0 : i32
    %c0_i32_1 = arith.constant 0 : i32
    return %c0_i32, %c0_i32_0 : i32, i32
  }
  func.func @transform_3(%arg0: i32) -> (i32, i32) {
    %c0_i32 = arith.constant 0 : i32
    %c0_i32_0 = arith.constant 0 : i32
    return %arg0, %c0_i32 : i32, i32
  }
}

module attributes {stable_mosaic.version = 14 : i64} {
  func.func @_attn_body(%arg0: i32, %arg1: memref<1000x128xf32, #tpu.memory_space<vmem>>, %arg2: memref<1000x128xf32, #tpu.memory_space<vmem>>, %arg3: memref<2x1000x128xf32, #tpu.memory_space<vmem>>, %arg4: memref<1000x32xi32, #tpu.memory_space<vmem>>, %arg5: memref<8x128x128xf32, #tpu.memory_space<vmem>>, %arg6: memref<128x8xf32, #tpu.memory_space<vmem>>, %arg7: memref<8x128xf32, #tpu.memory_space<vmem>>, %arg8: memref<128x128xf32, #tpu.memory_space<vmem>>, %arg9: memref<128x128xf32, #tpu.memory_space<vmem>>, %arg10: memref<128x128xf32, #tpu.memory_space<vmem>>, %arg11: memref<1x128xf32, #tpu.memory_space<vmem>>, %arg12: memref<1x128xf32, #tpu.memory_space<vmem>>, %arg13: memref<1x128xf32, #tpu.memory_space<vmem>>, %arg14: memref<1000x128xf32, #tpu.memory_space<vmem>>) attributes {dimension_semantics = [#tpu.dimension_semantics<arbitrary>], iteration_bounds = array<i64: 10>, scalar_prefetch = 0 : i64, scratch_operands = 0 : i64, tpu.core_type = #tpu.core_type<tc>, window_params = [{transform_indices = @transform_0, window_bounds = array<i64: 1000, 128>}, {transform_indices = @transform_1, window_bounds = array<i64: 1000, 128>}, {transform_indices = @transform_2, window_bounds = array<i64: 2, 1000, 128>}, {transform_indices = @transform_3, window_bounds = array<i64: 1000, 32>}, {pipeline_mode = #tpu.pipeline_mode<synchronous>, transform_indices = @transform_4, window_bounds = array<i64: 8, 128, 128>}, {pipeline_mode = #tpu.pipeline_mode<synchronous>, transform_indices = @transform_5, window_bounds = array<i64: 128, 8>}, {pipeline_mode = #tpu.pipeline_mode<synchronous>, transform_indices = @transform_6, window_bounds = array<i64: 8, 128>}, {pipeline_mode = #tpu.pipeline_mode<synchronous>, transform_indices = @transform_7, window_bounds = array<i64: 128, 128>}, {pipeline_mode = #tpu.pipeline_mode<synchronous>, transform_indices = @transform_8, window_bounds = array<i64: 128, 128>}, {pipeline_mode = #tpu.pipeline_mode<synchronous>, transform_indices = @transform_9, window_bounds = array<i64: 128, 128>}, {pipeline_mode = #tpu.pipeline_mode<synchronous>, transform_indices = @transform_10, window_bounds = array<i64: 1, 128>}, {pipeline_mode = #tpu.pipeline_mode<synchronous>, transform_indices = @transform_11, window_bounds = array<i64: 1, 128>}, {pipeline_mode = #tpu.pipeline_mode<synchronous>, transform_indices = @transform_12, window_bounds = array<i64: 1, 128>}, {transform_indices = @transform_13, window_bounds = array<i64: 1000, 128>}]} {
    %get3A = arith.constant 0 : index
    %get3A_0 = arith.constant 0 : index
    %get3A_1 = vector.load %arg1[%get3A, %get3A_0] : memref<1000x128xf32, #tpu.memory_space<vmem>>, vector<1000x128xf32>
    %get3A_2 = arith.constant 0 : index
    %get3A_3 = arith.constant 0 : index
    %get3A_4 = vector.load %arg8[%get3A_2, %get3A_3] : memref<128x128xf32, #tpu.memory_space<vmem>>, vector<128x128xf32>
    %dot_general3A = arith.constant dense<0.000000e+00> : vector<1000x128xf32>
    %dot_general3A_5 = tpu.matmul %get3A_1, %get3A_4, %dot_general3A {dimension_numbers = #tpu.dot_dimension_numbers<[1], [0], [0], [1], [0, 0, 1, 1], [], []>, transpose_lhs_hint = false} : vector<1000x128xf32>, vector<128x128xf32>, vector<1000x128xf32> -> vector<1000x128xf32>
    %get3A_6 = arith.constant 0 : index
    %get3A_7 = arith.constant 0 : index
    %get3A_8 = vector.load %arg11[%get3A_6, %get3A_7] : memref<1x128xf32, #tpu.memory_space<vmem>>, vector<1x128xf32>
    %add3A = vector.broadcast %get3A_8 : vector<1x128xf32> to vector<1000x128xf32>
    %add3A_9 = arith.addf %dot_general3A_5, %add3A : vector<1000x128xf32>
    %get3A_10 = arith.constant 0 : index
    %get3A_11 = arith.constant 0 : index
    %get3A_12 = vector.load %arg2[%get3A_10, %get3A_11] : memref<1000x128xf32, #tpu.memory_space<vmem>>, vector<1000x128xf32>
    %get3A_13 = arith.constant 0 : index
    %get3A_14 = arith.constant 0 : index
    %get3A_15 = vector.load %arg9[%get3A_13, %get3A_14] : memref<128x128xf32, #tpu.memory_space<vmem>>, vector<128x128xf32>
    %dot_general3A_16 = arith.constant dense<0.000000e+00> : vector<1000x128xf32>
    %dot_general3A_17 = tpu.matmul %get3A_12, %get3A_15, %dot_general3A_16 {dimension_numbers = #tpu.dot_dimension_numbers<[1], [0], [0], [1], [0, 0, 1, 1], [], []>, transpose_lhs_hint = false} : vector<1000x128xf32>, vector<128x128xf32>, vector<1000x128xf32> -> vector<1000x128xf32>
    %get3A_18 = arith.constant 0 : index
    %get3A_19 = arith.constant 0 : index
    %get3A_20 = vector.load %arg12[%get3A_18, %get3A_19] : memref<1x128xf32, #tpu.memory_space<vmem>>, vector<1x128xf32>
    %add3A_21 = vector.broadcast %get3A_20 : vector<1x128xf32> to vector<1000x128xf32>
    %add3A_22 = arith.addf %dot_general3A_17, %add3A_21 : vector<1000x128xf32>
    %get3A_23 = arith.constant 0 : index
    %get3A_24 = arith.constant 0 : index
    %get3A_25 = arith.constant 0 : index
    %get3A_26 = vector.load %arg3[%get3A_23, %get3A_24, %get3A_25] : memref<2x1000x128xf32, #tpu.memory_space<vmem>>, vector<1x1000x128xf32>
    %get3A_27 = vector.shape_cast %get3A_26 : vector<1x1000x128xf32> to vector<1000x128xf32>
    %get3A_28 = arith.constant 1 : index
    %get3A_29 = arith.constant 0 : index
    %get3A_30 = arith.constant 0 : index
    %get3A_31 = vector.load %arg3[%get3A_28, %get3A_29, %get3A_30] : memref<2x1000x128xf32, #tpu.memory_space<vmem>>, vector<1x1000x128xf32>
    %get3A_32 = vector.shape_cast %get3A_31 : vector<1x1000x128xf32> to vector<1000x128xf32>
    %add3A_33 = arith.addf %get3A_27, %get3A_32 : vector<1000x128xf32>
    %get3A_34 = arith.constant 0 : index
    %get3A_35 = arith.constant 0 : index
    %get3A_36 = vector.load %arg4[%get3A_34, %get3A_35] : memref<1000x32xi32, #tpu.memory_space<vmem>>, vector<1000x32xi32>
    %reduce_sum3A = arith.constant dense<0> : vector<1000xi32>
    %reduce_sum3A_37 = vector.multi_reduction <add>, %get3A_36, %reduce_sum3A [1] : vector<1000x32xi32> to vector<1000xi32>
    %broadcast_in_dim3A = vector.shape_cast %reduce_sum3A_37 : vector<1000xi32> to vector<1000x1xi32>
    %convert_element_type3A = arith.sitofp %broadcast_in_dim3A : vector<1000x1xi32> to vector<1000x1xf32>
    %max3A = arith.constant 1.000000e+00 : f32
    %max3A_38 = vector.broadcast %max3A : f32 to vector<1000x1xf32>
    %max3A_39 = arith.maximumf %convert_element_type3A, %max3A_38 : vector<1000x1xf32>
    %div3A = arith.constant 1.000000e+00 : f32
    %div3A_40 = vector.broadcast %div3A : f32 to vector<1000x1xf32>
    %div3A_41 = arith.divf %div3A_40, %max3A_39 : vector<1000x1xf32>
    %get3A_42 = arith.constant 0 : index
    %get3A_43 = arith.constant 0 : index
    %get3A_44 = arith.constant 0 : index
    %get3A_45 = vector.load %arg5[%get3A_42, %get3A_43, %get3A_44] : memref<8x128x128xf32, #tpu.memory_space<vmem>>, vector<1x128x128xf32>
    %get3A_46 = vector.shape_cast %get3A_45 : vector<1x128x128xf32> to vector<128x128xf32>
    %dot_general3A_47 = arith.constant dense<0.000000e+00> : vector<1000x128xf32>
    %dot_general3A_48 = tpu.matmul %add3A_33, %get3A_46, %dot_general3A_47 {dimension_numbers = #tpu.dot_dimension_numbers<[1], [0], [0], [1], [0, 0, 1, 1], [], []>, transpose_lhs_hint = false} : vector<1000x128xf32>, vector<128x128xf32>, vector<1000x128xf32> -> vector<1000x128xf32>
    %mul3A = arith.mulf %add3A_9, %dot_general3A_48 : vector<1000x128xf32>
    %get3A_49 = arith.constant 0 : index
    %get3A_50 = arith.constant 0 : index
    %get3A_51 = vector.load %arg6[%get3A_49, %get3A_50] : memref<128x8xf32, #tpu.memory_space<vmem>>, vector<128x8xf32>
    %dot_general3A_52 = arith.constant dense<0.000000e+00> : vector<1000x8xf32>
    %dot_general3A_53 = tpu.matmul %mul3A, %get3A_51, %dot_general3A_52 {dimension_numbers = #tpu.dot_dimension_numbers<[1], [0], [0], [1], [0, 0, 1, 1], [], []>, transpose_lhs_hint = false} : vector<1000x128xf32>, vector<128x8xf32>, vector<1000x8xf32> -> vector<1000x8xf32>
    %mul3A_54 = vector.broadcast %div3A_41 : vector<1000x1xf32> to vector<1000x8xf32>
    %mul3A_55 = arith.mulf %dot_general3A_53, %mul3A_54 : vector<1000x8xf32>
    %get3A_56 = arith.constant 1 : index
    %get3A_57 = arith.constant 0 : index
    %get3A_58 = arith.constant 0 : index
    %get3A_59 = vector.load %arg5[%get3A_56, %get3A_57, %get3A_58] : memref<8x128x128xf32, #tpu.memory_space<vmem>>, vector<1x128x128xf32>
    %get3A_60 = vector.shape_cast %get3A_59 : vector<1x128x128xf32> to vector<128x128xf32>
    %dot_general3A_61 = arith.constant dense<0.000000e+00> : vector<1000x128xf32>
    %dot_general3A_62 = tpu.matmul %add3A_33, %get3A_60, %dot_general3A_61 {dimension_numbers = #tpu.dot_dimension_numbers<[1], [0], [0], [1], [0, 0, 1, 1], [], []>, transpose_lhs_hint = false} : vector<1000x128xf32>, vector<128x128xf32>, vector<1000x128xf32> -> vector<1000x128xf32>
    %mul3A_63 = arith.mulf %add3A_9, %dot_general3A_62 : vector<1000x128xf32>
    %get3A_64 = arith.constant 0 : index
    %get3A_65 = arith.constant 0 : index
    %get3A_66 = vector.load %arg6[%get3A_64, %get3A_65] : memref<128x8xf32, #tpu.memory_space<vmem>>, vector<128x8xf32>
    %dot_general3A_67 = arith.constant dense<0.000000e+00> : vector<1000x8xf32>
    %dot_general3A_68 = tpu.matmul %mul3A_63, %get3A_66, %dot_general3A_67 {dimension_numbers = #tpu.dot_dimension_numbers<[1], [0], [0], [1], [0, 0, 1, 1], [], []>, transpose_lhs_hint = false} : vector<1000x128xf32>, vector<128x8xf32>, vector<1000x8xf32> -> vector<1000x8xf32>
    %mul3A_69 = vector.broadcast %div3A_41 : vector<1000x1xf32> to vector<1000x8xf32>
    %mul3A_70 = arith.mulf %dot_general3A_68, %mul3A_69 : vector<1000x8xf32>
    %get3A_71 = arith.constant 2 : index
    %get3A_72 = arith.constant 0 : index
    %get3A_73 = arith.constant 0 : index
    %get3A_74 = vector.load %arg5[%get3A_71, %get3A_72, %get3A_73] : memref<8x128x128xf32, #tpu.memory_space<vmem>>, vector<1x128x128xf32>
    %get3A_75 = vector.shape_cast %get3A_74 : vector<1x128x128xf32> to vector<128x128xf32>
    %dot_general3A_76 = arith.constant dense<0.000000e+00> : vector<1000x128xf32>
    %dot_general3A_77 = tpu.matmul %add3A_33, %get3A_75, %dot_general3A_76 {dimension_numbers = #tpu.dot_dimension_numbers<[1], [0], [0], [1], [0, 0, 1, 1], [], []>, transpose_lhs_hint = false} : vector<1000x128xf32>, vector<128x128xf32>, vector<1000x128xf32> -> vector<1000x128xf32>
    %mul3A_78 = arith.mulf %add3A_9, %dot_general3A_77 : vector<1000x128xf32>
    %get3A_79 = arith.constant 0 : index
    %get3A_80 = arith.constant 0 : index
    %get3A_81 = vector.load %arg6[%get3A_79, %get3A_80] : memref<128x8xf32, #tpu.memory_space<vmem>>, vector<128x8xf32>
    %dot_general3A_82 = arith.constant dense<0.000000e+00> : vector<1000x8xf32>
    %dot_general3A_83 = tpu.matmul %mul3A_78, %get3A_81, %dot_general3A_82 {dimension_numbers = #tpu.dot_dimension_numbers<[1], [0], [0], [1], [0, 0, 1, 1], [], []>, transpose_lhs_hint = false} : vector<1000x128xf32>, vector<128x8xf32>, vector<1000x8xf32> -> vector<1000x8xf32>
    %mul3A_84 = vector.broadcast %div3A_41 : vector<1000x1xf32> to vector<1000x8xf32>
    %mul3A_85 = arith.mulf %dot_general3A_83, %mul3A_84 : vector<1000x8xf32>
    %get3A_86 = arith.constant 3 : index
    %get3A_87 = arith.constant 0 : index
    %get3A_88 = arith.constant 0 : index
    %get3A_89 = vector.load %arg5[%get3A_86, %get3A_87, %get3A_88] : memref<8x128x128xf32, #tpu.memory_space<vmem>>, vector<1x128x128xf32>
    %get3A_90 = vector.shape_cast %get3A_89 : vector<1x128x128xf32> to vector<128x128xf32>
    %dot_general3A_91 = arith.constant dense<0.000000e+00> : vector<1000x128xf32>
    %dot_general3A_92 = tpu.matmul %add3A_33, %get3A_90, %dot_general3A_91 {dimension_numbers = #tpu.dot_dimension_numbers<[1], [0], [0], [1], [0, 0, 1, 1], [], []>, transpose_lhs_hint = false} : vector<1000x128xf32>, vector<128x128xf32>, vector<1000x128xf32> -> vector<1000x128xf32>
    %mul3A_93 = arith.mulf %add3A_9, %dot_general3A_92 : vector<1000x128xf32>
    %get3A_94 = arith.constant 0 : index
    %get3A_95 = arith.constant 0 : index
    %get3A_96 = vector.load %arg6[%get3A_94, %get3A_95] : memref<128x8xf32, #tpu.memory_space<vmem>>, vector<128x8xf32>
    %dot_general3A_97 = arith.constant dense<0.000000e+00> : vector<1000x8xf32>
    %dot_general3A_98 = tpu.matmul %mul3A_93, %get3A_96, %dot_general3A_97 {dimension_numbers = #tpu.dot_dimension_numbers<[1], [0], [0], [1], [0, 0, 1, 1], [], []>, transpose_lhs_hint = false} : vector<1000x128xf32>, vector<128x8xf32>, vector<1000x8xf32> -> vector<1000x8xf32>
    %mul3A_99 = vector.broadcast %div3A_41 : vector<1000x1xf32> to vector<1000x8xf32>
    %mul3A_100 = arith.mulf %dot_general3A_98, %mul3A_99 : vector<1000x8xf32>
    %get3A_101 = arith.constant 4 : index
    %get3A_102 = arith.constant 0 : index
    %get3A_103 = arith.constant 0 : index
    %get3A_104 = vector.load %arg5[%get3A_101, %get3A_102, %get3A_103] : memref<8x128x128xf32, #tpu.memory_space<vmem>>, vector<1x128x128xf32>
    %get3A_105 = vector.shape_cast %get3A_104 : vector<1x128x128xf32> to vector<128x128xf32>
    %dot_general3A_106 = arith.constant dense<0.000000e+00> : vector<1000x128xf32>
    %dot_general3A_107 = tpu.matmul %add3A_33, %get3A_105, %dot_general3A_106 {dimension_numbers = #tpu.dot_dimension_numbers<[1], [0], [0], [1], [0, 0, 1, 1], [], []>, transpose_lhs_hint = false} : vector<1000x128xf32>, vector<128x128xf32>, vector<1000x128xf32> -> vector<1000x128xf32>
    %mul3A_108 = arith.mulf %add3A_9, %dot_general3A_107 : vector<1000x128xf32>
    %get3A_109 = arith.constant 0 : index
    %get3A_110 = arith.constant 0 : index
    %get3A_111 = vector.load %arg6[%get3A_109, %get3A_110] : memref<128x8xf32, #tpu.memory_space<vmem>>, vector<128x8xf32>
    %dot_general3A_112 = arith.constant dense<0.000000e+00> : vector<1000x8xf32>
    %dot_general3A_113 = tpu.matmul %mul3A_108, %get3A_111, %dot_general3A_112 {dimension_numbers = #tpu.dot_dimension_numbers<[1], [0], [0], [1], [0, 0, 1, 1], [], []>, transpose_lhs_hint = false} : vector<1000x128xf32>, vector<128x8xf32>, vector<1000x8xf32> -> vector<1000x8xf32>
    %mul3A_114 = vector.broadcast %div3A_41 : vector<1000x1xf32> to vector<1000x8xf32>
    %mul3A_115 = arith.mulf %dot_general3A_113, %mul3A_114 : vector<1000x8xf32>
    %get3A_116 = arith.constant 5 : index
    %get3A_117 = arith.constant 0 : index
    %get3A_118 = arith.constant 0 : index
    %get3A_119 = vector.load %arg5[%get3A_116, %get3A_117, %get3A_118] : memref<8x128x128xf32, #tpu.memory_space<vmem>>, vector<1x128x128xf32>
    %get3A_120 = vector.shape_cast %get3A_119 : vector<1x128x128xf32> to vector<128x128xf32>
    %dot_general3A_121 = arith.constant dense<0.000000e+00> : vector<1000x128xf32>
    %dot_general3A_122 = tpu.matmul %add3A_33, %get3A_120, %dot_general3A_121 {dimension_numbers = #tpu.dot_dimension_numbers<[1], [0], [0], [1], [0, 0, 1, 1], [], []>, transpose_lhs_hint = false} : vector<1000x128xf32>, vector<128x128xf32>, vector<1000x128xf32> -> vector<1000x128xf32>
    %mul3A_123 = arith.mulf %add3A_9, %dot_general3A_122 : vector<1000x128xf32>
    %get3A_124 = arith.constant 0 : index
    %get3A_125 = arith.constant 0 : index
    %get3A_126 = vector.load %arg6[%get3A_124, %get3A_125] : memref<128x8xf32, #tpu.memory_space<vmem>>, vector<128x8xf32>
    %dot_general3A_127 = arith.constant dense<0.000000e+00> : vector<1000x8xf32>
    %dot_general3A_128 = tpu.matmul %mul3A_123, %get3A_126, %dot_general3A_127 {dimension_numbers = #tpu.dot_dimension_numbers<[1], [0], [0], [1], [0, 0, 1, 1], [], []>, transpose_lhs_hint = false} : vector<1000x128xf32>, vector<128x8xf32>, vector<1000x8xf32> -> vector<1000x8xf32>
    %mul3A_129 = vector.broadcast %div3A_41 : vector<1000x1xf32> to vector<1000x8xf32>
    %mul3A_130 = arith.mulf %dot_general3A_128, %mul3A_129 : vector<1000x8xf32>
    %get3A_131 = arith.constant 6 : index
    %get3A_132 = arith.constant 0 : index
    %get3A_133 = arith.constant 0 : index
    %get3A_134 = vector.load %arg5[%get3A_131, %get3A_132, %get3A_133] : memref<8x128x128xf32, #tpu.memory_space<vmem>>, vector<1x128x128xf32>
    %get3A_135 = vector.shape_cast %get3A_134 : vector<1x128x128xf32> to vector<128x128xf32>
    %dot_general3A_136 = arith.constant dense<0.000000e+00> : vector<1000x128xf32>
    %dot_general3A_137 = tpu.matmul %add3A_33, %get3A_135, %dot_general3A_136 {dimension_numbers = #tpu.dot_dimension_numbers<[1], [0], [0], [1], [0, 0, 1, 1], [], []>, transpose_lhs_hint = false} : vector<1000x128xf32>, vector<128x128xf32>, vector<1000x128xf32> -> vector<1000x128xf32>
    %mul3A_138 = arith.mulf %add3A_9, %dot_general3A_137 : vector<1000x128xf32>
    %get3A_139 = arith.constant 0 : index
    %get3A_140 = arith.constant 0 : index
    %get3A_141 = vector.load %arg6[%get3A_139, %get3A_140] : memref<128x8xf32, #tpu.memory_space<vmem>>, vector<128x8xf32>
    %dot_general3A_142 = arith.constant dense<0.000000e+00> : vector<1000x8xf32>
    %dot_general3A_143 = tpu.matmul %mul3A_138, %get3A_141, %dot_general3A_142 {dimension_numbers = #tpu.dot_dimension_numbers<[1], [0], [0], [1], [0, 0, 1, 1], [], []>, transpose_lhs_hint = false} : vector<1000x128xf32>, vector<128x8xf32>, vector<1000x8xf32> -> vector<1000x8xf32>
    %mul3A_144 = vector.broadcast %div3A_41 : vector<1000x1xf32> to vector<1000x8xf32>
    %mul3A_145 = arith.mulf %dot_general3A_143, %mul3A_144 : vector<1000x8xf32>
    %get3A_146 = arith.constant 7 : index
    %get3A_147 = arith.constant 0 : index
    %get3A_148 = arith.constant 0 : index
    %get3A_149 = vector.load %arg5[%get3A_146, %get3A_147, %get3A_148] : memref<8x128x128xf32, #tpu.memory_space<vmem>>, vector<1x128x128xf32>
    %get3A_150 = vector.shape_cast %get3A_149 : vector<1x128x128xf32> to vector<128x128xf32>
    %dot_general3A_151 = arith.constant dense<0.000000e+00> : vector<1000x128xf32>
    %dot_general3A_152 = tpu.matmul %add3A_33, %get3A_150, %dot_general3A_151 {dimension_numbers = #tpu.dot_dimension_numbers<[1], [0], [0], [1], [0, 0, 1, 1], [], []>, transpose_lhs_hint = false} : vector<1000x128xf32>, vector<128x128xf32>, vector<1000x128xf32> -> vector<1000x128xf32>
    %mul3A_153 = arith.mulf %add3A_9, %dot_general3A_152 : vector<1000x128xf32>
    %get3A_154 = arith.constant 0 : index
    %get3A_155 = arith.constant 0 : index
    %get3A_156 = vector.load %arg6[%get3A_154, %get3A_155] : memref<128x8xf32, #tpu.memory_space<vmem>>, vector<128x8xf32>
    %dot_general3A_157 = arith.constant dense<0.000000e+00> : vector<1000x8xf32>
    %dot_general3A_158 = tpu.matmul %mul3A_153, %get3A_156, %dot_general3A_157 {dimension_numbers = #tpu.dot_dimension_numbers<[1], [0], [0], [1], [0, 0, 1, 1], [], []>, transpose_lhs_hint = false} : vector<1000x128xf32>, vector<128x8xf32>, vector<1000x8xf32> -> vector<1000x8xf32>
    %mul3A_159 = vector.broadcast %div3A_41 : vector<1000x1xf32> to vector<1000x8xf32>
    %mul3A_160 = arith.mulf %dot_general3A_158, %mul3A_159 : vector<1000x8xf32>
    %max3A_161 = arith.maximumf %mul3A_55, %mul3A_70 : vector<1000x8xf32>
    %max3A_162 = arith.maximumf %max3A_161, %mul3A_85 : vector<1000x8xf32>
    %max3A_163 = arith.maximumf %max3A_162, %mul3A_100 : vector<1000x8xf32>
    %max3A_164 = arith.maximumf %max3A_163, %mul3A_115 : vector<1000x8xf32>
    %max3A_165 = arith.maximumf %max3A_164, %mul3A_130 : vector<1000x8xf32>
    %max3A_166 = arith.maximumf %max3A_165, %mul3A_145 : vector<1000x8xf32>
    %max3A_167 = arith.maximumf %max3A_166, %mul3A_160 : vector<1000x8xf32>
    %sub3A = arith.subf %mul3A_55, %max3A_167 : vector<1000x8xf32>
    %exp3A = math.exp %sub3A : vector<1000x8xf32>
    %sub3A_168 = arith.subf %mul3A_70, %max3A_167 : vector<1000x8xf32>
    %exp3A_169 = math.exp %sub3A_168 : vector<1000x8xf32>
    %sub3A_170 = arith.subf %mul3A_85, %max3A_167 : vector<1000x8xf32>
    %exp3A_171 = math.exp %sub3A_170 : vector<1000x8xf32>
    %sub3A_172 = arith.subf %mul3A_100, %max3A_167 : vector<1000x8xf32>
    %exp3A_173 = math.exp %sub3A_172 : vector<1000x8xf32>
    %sub3A_174 = arith.subf %mul3A_115, %max3A_167 : vector<1000x8xf32>
    %exp3A_175 = math.exp %sub3A_174 : vector<1000x8xf32>
    %sub3A_176 = arith.subf %mul3A_130, %max3A_167 : vector<1000x8xf32>
    %exp3A_177 = math.exp %sub3A_176 : vector<1000x8xf32>
    %sub3A_178 = arith.subf %mul3A_145, %max3A_167 : vector<1000x8xf32>
    %exp3A_179 = math.exp %sub3A_178 : vector<1000x8xf32>
    %sub3A_180 = arith.subf %mul3A_160, %max3A_167 : vector<1000x8xf32>
    %exp3A_181 = math.exp %sub3A_180 : vector<1000x8xf32>
    %add3A_182 = arith.addf %exp3A, %exp3A_169 : vector<1000x8xf32>
    %add3A_183 = arith.addf %add3A_182, %exp3A_171 : vector<1000x8xf32>
    %add3A_184 = arith.addf %add3A_183, %exp3A_173 : vector<1000x8xf32>
    %add3A_185 = arith.addf %add3A_184, %exp3A_175 : vector<1000x8xf32>
    %add3A_186 = arith.addf %add3A_185, %exp3A_177 : vector<1000x8xf32>
    %add3A_187 = arith.addf %add3A_186, %exp3A_179 : vector<1000x8xf32>
    %add3A_188 = arith.addf %add3A_187, %exp3A_181 : vector<1000x8xf32>
    %div3A_189 = arith.constant 1.000000e+00 : f32
    %div3A_190 = vector.broadcast %div3A_189 : f32 to vector<1000x8xf32>
    %div3A_191 = arith.divf %div3A_190, %add3A_188 : vector<1000x8xf32>
    %mul3A_192 = arith.mulf %exp3A, %div3A_191 : vector<1000x8xf32>
    %get3A_193 = arith.constant 0 : index
    %get3A_194 = arith.constant 0 : index
    %get3A_195 = vector.load %arg7[%get3A_193, %get3A_194] : memref<8x128xf32, #tpu.memory_space<vmem>>, vector<8x128xf32>
    %dot_general3A_196 = arith.constant dense<0.000000e+00> : vector<1000x128xf32>
    %dot_general3A_197 = tpu.matmul %mul3A_192, %get3A_195, %dot_general3A_196 {dimension_numbers = #tpu.dot_dimension_numbers<[1], [0], [0], [1], [0, 0, 1, 1], [], []>, transpose_lhs_hint = false} : vector<1000x8xf32>, vector<8x128xf32>, vector<1000x128xf32> -> vector<1000x128xf32>
    %get3A_198 = arith.constant 0 : index
    %get3A_199 = arith.constant 0 : index
    %get3A_200 = arith.constant 0 : index
    %get3A_201 = vector.load %arg5[%get3A_198, %get3A_199, %get3A_200] : memref<8x128x128xf32, #tpu.memory_space<vmem>>, vector<1x128x128xf32>
    %get3A_202 = vector.shape_cast %get3A_201 : vector<1x128x128xf32> to vector<128x128xf32>
    %dot_general3A_203 = arith.constant dense<0.000000e+00> : vector<1000x128xf32>
    %dot_general3A_204 = tpu.matmul %add3A_22, %get3A_202, %dot_general3A_203 {dimension_numbers = #tpu.dot_dimension_numbers<[1], [0], [0], [1], [0, 0, 1, 1], [], []>, transpose_lhs_hint = false} : vector<1000x128xf32>, vector<128x128xf32>, vector<1000x128xf32> -> vector<1000x128xf32>
    %mul3A_205 = arith.mulf %dot_general3A_197, %dot_general3A_204 : vector<1000x128xf32>
    %mul3A_206 = arith.mulf %exp3A_169, %div3A_191 : vector<1000x8xf32>
    %get3A_207 = arith.constant 0 : index
    %get3A_208 = arith.constant 0 : index
    %get3A_209 = vector.load %arg7[%get3A_207, %get3A_208] : memref<8x128xf32, #tpu.memory_space<vmem>>, vector<8x128xf32>
    %dot_general3A_210 = arith.constant dense<0.000000e+00> : vector<1000x128xf32>
    %dot_general3A_211 = tpu.matmul %mul3A_206, %get3A_209, %dot_general3A_210 {dimension_numbers = #tpu.dot_dimension_numbers<[1], [0], [0], [1], [0, 0, 1, 1], [], []>, transpose_lhs_hint = false} : vector<1000x8xf32>, vector<8x128xf32>, vector<1000x128xf32> -> vector<1000x128xf32>
    %get3A_212 = arith.constant 1 : index
    %get3A_213 = arith.constant 0 : index
    %get3A_214 = arith.constant 0 : index
    %get3A_215 = vector.load %arg5[%get3A_212, %get3A_213, %get3A_214] : memref<8x128x128xf32, #tpu.memory_space<vmem>>, vector<1x128x128xf32>
    %get3A_216 = vector.shape_cast %get3A_215 : vector<1x128x128xf32> to vector<128x128xf32>
    %dot_general3A_217 = arith.constant dense<0.000000e+00> : vector<1000x128xf32>
    %dot_general3A_218 = tpu.matmul %add3A_22, %get3A_216, %dot_general3A_217 {dimension_numbers = #tpu.dot_dimension_numbers<[1], [0], [0], [1], [0, 0, 1, 1], [], []>, transpose_lhs_hint = false} : vector<1000x128xf32>, vector<128x128xf32>, vector<1000x128xf32> -> vector<1000x128xf32>
    %mul3A_219 = arith.mulf %dot_general3A_211, %dot_general3A_218 : vector<1000x128xf32>
    %add3A_220 = arith.addf %mul3A_205, %mul3A_219 : vector<1000x128xf32>
    %mul3A_221 = arith.mulf %exp3A_171, %div3A_191 : vector<1000x8xf32>
    %get3A_222 = arith.constant 0 : index
    %get3A_223 = arith.constant 0 : index
    %get3A_224 = vector.load %arg7[%get3A_222, %get3A_223] : memref<8x128xf32, #tpu.memory_space<vmem>>, vector<8x128xf32>
    %dot_general3A_225 = arith.constant dense<0.000000e+00> : vector<1000x128xf32>
    %dot_general3A_226 = tpu.matmul %mul3A_221, %get3A_224, %dot_general3A_225 {dimension_numbers = #tpu.dot_dimension_numbers<[1], [0], [0], [1], [0, 0, 1, 1], [], []>, transpose_lhs_hint = false} : vector<1000x8xf32>, vector<8x128xf32>, vector<1000x128xf32> -> vector<1000x128xf32>
    %get3A_227 = arith.constant 2 : index
    %get3A_228 = arith.constant 0 : index
    %get3A_229 = arith.constant 0 : index
    %get3A_230 = vector.load %arg5[%get3A_227, %get3A_228, %get3A_229] : memref<8x128x128xf32, #tpu.memory_space<vmem>>, vector<1x128x128xf32>
    %get3A_231 = vector.shape_cast %get3A_230 : vector<1x128x128xf32> to vector<128x128xf32>
    %dot_general3A_232 = arith.constant dense<0.000000e+00> : vector<1000x128xf32>
    %dot_general3A_233 = tpu.matmul %add3A_22, %get3A_231, %dot_general3A_232 {dimension_numbers = #tpu.dot_dimension_numbers<[1], [0], [0], [1], [0, 0, 1, 1], [], []>, transpose_lhs_hint = false} : vector<1000x128xf32>, vector<128x128xf32>, vector<1000x128xf32> -> vector<1000x128xf32>
    %mul3A_234 = arith.mulf %dot_general3A_226, %dot_general3A_233 : vector<1000x128xf32>
    %add3A_235 = arith.addf %add3A_220, %mul3A_234 : vector<1000x128xf32>
    %mul3A_236 = arith.mulf %exp3A_173, %div3A_191 : vector<1000x8xf32>
    %get3A_237 = arith.constant 0 : index
    %get3A_238 = arith.constant 0 : index
    %get3A_239 = vector.load %arg7[%get3A_237, %get3A_238] : memref<8x128xf32, #tpu.memory_space<vmem>>, vector<8x128xf32>
    %dot_general3A_240 = arith.constant dense<0.000000e+00> : vector<1000x128xf32>
    %dot_general3A_241 = tpu.matmul %mul3A_236, %get3A_239, %dot_general3A_240 {dimension_numbers = #tpu.dot_dimension_numbers<[1], [0], [0], [1], [0, 0, 1, 1], [], []>, transpose_lhs_hint = false} : vector<1000x8xf32>, vector<8x128xf32>, vector<1000x128xf32> -> vector<1000x128xf32>
    %get3A_242 = arith.constant 3 : index
    %get3A_243 = arith.constant 0 : index
    %get3A_244 = arith.constant 0 : index
    %get3A_245 = vector.load %arg5[%get3A_242, %get3A_243, %get3A_244] : memref<8x128x128xf32, #tpu.memory_space<vmem>>, vector<1x128x128xf32>
    %get3A_246 = vector.shape_cast %get3A_245 : vector<1x128x128xf32> to vector<128x128xf32>
    %dot_general3A_247 = arith.constant dense<0.000000e+00> : vector<1000x128xf32>
    %dot_general3A_248 = tpu.matmul %add3A_22, %get3A_246, %dot_general3A_247 {dimension_numbers = #tpu.dot_dimension_numbers<[1], [0], [0], [1], [0, 0, 1, 1], [], []>, transpose_lhs_hint = false} : vector<1000x128xf32>, vector<128x128xf32>, vector<1000x128xf32> -> vector<1000x128xf32>
    %mul3A_249 = arith.mulf %dot_general3A_241, %dot_general3A_248 : vector<1000x128xf32>
    %add3A_250 = arith.addf %add3A_235, %mul3A_249 : vector<1000x128xf32>
    %mul3A_251 = arith.mulf %exp3A_175, %div3A_191 : vector<1000x8xf32>
    %get3A_252 = arith.constant 0 : index
    %get3A_253 = arith.constant 0 : index
    %get3A_254 = vector.load %arg7[%get3A_252, %get3A_253] : memref<8x128xf32, #tpu.memory_space<vmem>>, vector<8x128xf32>
    %dot_general3A_255 = arith.constant dense<0.000000e+00> : vector<1000x128xf32>
    %dot_general3A_256 = tpu.matmul %mul3A_251, %get3A_254, %dot_general3A_255 {dimension_numbers = #tpu.dot_dimension_numbers<[1], [0], [0], [1], [0, 0, 1, 1], [], []>, transpose_lhs_hint = false} : vector<1000x8xf32>, vector<8x128xf32>, vector<1000x128xf32> -> vector<1000x128xf32>
    %get3A_257 = arith.constant 4 : index
    %get3A_258 = arith.constant 0 : index
    %get3A_259 = arith.constant 0 : index
    %get3A_260 = vector.load %arg5[%get3A_257, %get3A_258, %get3A_259] : memref<8x128x128xf32, #tpu.memory_space<vmem>>, vector<1x128x128xf32>
    %get3A_261 = vector.shape_cast %get3A_260 : vector<1x128x128xf32> to vector<128x128xf32>
    %dot_general3A_262 = arith.constant dense<0.000000e+00> : vector<1000x128xf32>
    %dot_general3A_263 = tpu.matmul %add3A_22, %get3A_261, %dot_general3A_262 {dimension_numbers = #tpu.dot_dimension_numbers<[1], [0], [0], [1], [0, 0, 1, 1], [], []>, transpose_lhs_hint = false} : vector<1000x128xf32>, vector<128x128xf32>, vector<1000x128xf32> -> vector<1000x128xf32>
    %mul3A_264 = arith.mulf %dot_general3A_256, %dot_general3A_263 : vector<1000x128xf32>
    %add3A_265 = arith.addf %add3A_250, %mul3A_264 : vector<1000x128xf32>
    %mul3A_266 = arith.mulf %exp3A_177, %div3A_191 : vector<1000x8xf32>
    %get3A_267 = arith.constant 0 : index
    %get3A_268 = arith.constant 0 : index
    %get3A_269 = vector.load %arg7[%get3A_267, %get3A_268] : memref<8x128xf32, #tpu.memory_space<vmem>>, vector<8x128xf32>
    %dot_general3A_270 = arith.constant dense<0.000000e+00> : vector<1000x128xf32>
    %dot_general3A_271 = tpu.matmul %mul3A_266, %get3A_269, %dot_general3A_270 {dimension_numbers = #tpu.dot_dimension_numbers<[1], [0], [0], [1], [0, 0, 1, 1], [], []>, transpose_lhs_hint = false} : vector<1000x8xf32>, vector<8x128xf32>, vector<1000x128xf32> -> vector<1000x128xf32>
    %get3A_272 = arith.constant 5 : index
    %get3A_273 = arith.constant 0 : index
    %get3A_274 = arith.constant 0 : index
    %get3A_275 = vector.load %arg5[%get3A_272, %get3A_273, %get3A_274] : memref<8x128x128xf32, #tpu.memory_space<vmem>>, vector<1x128x128xf32>
    %get3A_276 = vector.shape_cast %get3A_275 : vector<1x128x128xf32> to vector<128x128xf32>
    %dot_general3A_277 = arith.constant dense<0.000000e+00> : vector<1000x128xf32>
    %dot_general3A_278 = tpu.matmul %add3A_22, %get3A_276, %dot_general3A_277 {dimension_numbers = #tpu.dot_dimension_numbers<[1], [0], [0], [1], [0, 0, 1, 1], [], []>, transpose_lhs_hint = false} : vector<1000x128xf32>, vector<128x128xf32>, vector<1000x128xf32> -> vector<1000x128xf32>
    %mul3A_279 = arith.mulf %dot_general3A_271, %dot_general3A_278 : vector<1000x128xf32>
    %add3A_280 = arith.addf %add3A_265, %mul3A_279 : vector<1000x128xf32>
    %mul3A_281 = arith.mulf %exp3A_179, %div3A_191 : vector<1000x8xf32>
    %get3A_282 = arith.constant 0 : index
    %get3A_283 = arith.constant 0 : index
    %get3A_284 = vector.load %arg7[%get3A_282, %get3A_283] : memref<8x128xf32, #tpu.memory_space<vmem>>, vector<8x128xf32>
    %dot_general3A_285 = arith.constant dense<0.000000e+00> : vector<1000x128xf32>
    %dot_general3A_286 = tpu.matmul %mul3A_281, %get3A_284, %dot_general3A_285 {dimension_numbers = #tpu.dot_dimension_numbers<[1], [0], [0], [1], [0, 0, 1, 1], [], []>, transpose_lhs_hint = false} : vector<1000x8xf32>, vector<8x128xf32>, vector<1000x128xf32> -> vector<1000x128xf32>
    %get3A_287 = arith.constant 6 : index
    %get3A_288 = arith.constant 0 : index
    %get3A_289 = arith.constant 0 : index
    %get3A_290 = vector.load %arg5[%get3A_287, %get3A_288, %get3A_289] : memref<8x128x128xf32, #tpu.memory_space<vmem>>, vector<1x128x128xf32>
    %get3A_291 = vector.shape_cast %get3A_290 : vector<1x128x128xf32> to vector<128x128xf32>
    %dot_general3A_292 = arith.constant dense<0.000000e+00> : vector<1000x128xf32>
    %dot_general3A_293 = tpu.matmul %add3A_22, %get3A_291, %dot_general3A_292 {dimension_numbers = #tpu.dot_dimension_numbers<[1], [0], [0], [1], [0, 0, 1, 1], [], []>, transpose_lhs_hint = false} : vector<1000x128xf32>, vector<128x128xf32>, vector<1000x128xf32> -> vector<1000x128xf32>
    %mul3A_294 = arith.mulf %dot_general3A_286, %dot_general3A_293 : vector<1000x128xf32>
    %add3A_295 = arith.addf %add3A_280, %mul3A_294 : vector<1000x128xf32>
    %mul3A_296 = arith.mulf %exp3A_181, %div3A_191 : vector<1000x8xf32>
    %get3A_297 = arith.constant 0 : index
    %get3A_298 = arith.constant 0 : index
    %get3A_299 = vector.load %arg7[%get3A_297, %get3A_298] : memref<8x128xf32, #tpu.memory_space<vmem>>, vector<8x128xf32>
    %dot_general3A_300 = arith.constant dense<0.000000e+00> : vector<1000x128xf32>
    %dot_general3A_301 = tpu.matmul %mul3A_296, %get3A_299, %dot_general3A_300 {dimension_numbers = #tpu.dot_dimension_numbers<[1], [0], [0], [1], [0, 0, 1, 1], [], []>, transpose_lhs_hint = false} : vector<1000x8xf32>, vector<8x128xf32>, vector<1000x128xf32> -> vector<1000x128xf32>
    %get3A_302 = arith.constant 7 : index
    %get3A_303 = arith.constant 0 : index
    %get3A_304 = arith.constant 0 : index
    %get3A_305 = vector.load %arg5[%get3A_302, %get3A_303, %get3A_304] : memref<8x128x128xf32, #tpu.memory_space<vmem>>, vector<1x128x128xf32>
    %get3A_306 = vector.shape_cast %get3A_305 : vector<1x128x128xf32> to vector<128x128xf32>
    %dot_general3A_307 = arith.constant dense<0.000000e+00> : vector<1000x128xf32>
    %dot_general3A_308 = tpu.matmul %add3A_22, %get3A_306, %dot_general3A_307 {dimension_numbers = #tpu.dot_dimension_numbers<[1], [0], [0], [1], [0, 0, 1, 1], [], []>, transpose_lhs_hint = false} : vector<1000x128xf32>, vector<128x128xf32>, vector<1000x128xf32> -> vector<1000x128xf32>
    %mul3A_309 = arith.mulf %dot_general3A_301, %dot_general3A_308 : vector<1000x128xf32>
    %add3A_310 = arith.addf %add3A_295, %mul3A_309 : vector<1000x128xf32>
    %get3A_311 = arith.constant 0 : index
    %get3A_312 = arith.constant 0 : index
    %get3A_313 = vector.load %arg10[%get3A_311, %get3A_312] : memref<128x128xf32, #tpu.memory_space<vmem>>, vector<128x128xf32>
    %dot_general3A_314 = arith.constant dense<0.000000e+00> : vector<1000x128xf32>
    %dot_general3A_315 = tpu.matmul %add3A_310, %get3A_313, %dot_general3A_314 {dimension_numbers = #tpu.dot_dimension_numbers<[1], [0], [0], [1], [0, 0, 1, 1], [], []>, transpose_lhs_hint = false} : vector<1000x128xf32>, vector<128x128xf32>, vector<1000x128xf32> -> vector<1000x128xf32>
    %get3A_316 = arith.constant 0 : index
    %get3A_317 = arith.constant 0 : index
    %get3A_318 = vector.load %arg13[%get3A_316, %get3A_317] : memref<1x128xf32, #tpu.memory_space<vmem>>, vector<1x128xf32>
    %add3A_319 = vector.broadcast %get3A_318 : vector<1x128xf32> to vector<1000x128xf32>
    %add3A_320 = arith.addf %dot_general3A_315, %add3A_319 : vector<1000x128xf32>
    %swap3A = arith.constant 0 : index
    %swap3A_321 = arith.constant 0 : index
    %swap3A_322 = vector.load %arg14[%swap3A, %swap3A_321] : memref<1000x128xf32, #tpu.memory_space<vmem>>, vector<1000x128xf32>
    tpu.vector_store %arg14[%swap3A, %swap3A_321], %add3A_320 {strides = array<i32>} : memref<1000x128xf32, #tpu.memory_space<vmem>>, vector<1000x128xf32>,
    return
  }
  func.func @transform_0(%arg0: i32) -> (i32, i32) {
    %c0_i32 = arith.constant 0 : i32
    %c0_i32_0 = arith.constant 0 : i32
    return %arg0, %c0_i32 : i32, i32
  }
  func.func @transform_1(%arg0: i32) -> (i32, i32) {
    %c0_i32 = arith.constant 0 : i32
    %c0_i32_0 = arith.constant 0 : i32
    return %arg0, %c0_i32 : i32, i32
  }
  func.func @transform_2(%arg0: i32) -> (i32, i32, i32) {
    %c0_i32 = arith.constant 0 : i32
    %c0_i32_0 = arith.constant 0 : i32
    %c0_i32_1 = arith.constant 0 : i32
    return %c0_i32, %arg0, %c0_i32_0 : i32, i32, i32
  }
  func.func @transform_3(%arg0: i32) -> (i32, i32) {
    %c0_i32 = arith.constant 0 : i32
    %c0_i32_0 = arith.constant 0 : i32
    return %arg0, %c0_i32 : i32, i32
  }
  func.func @transform_4(%arg0: i32) -> (i32, i32, i32) {
    %c0_i32 = arith.constant 0 : i32
    %c0_i32_0 = arith.constant 0 : i32
    %c0_i32_1 = arith.constant 0 : i32
    %c0_i32_2 = arith.constant 0 : i32
    return %c0_i32, %c0_i32_0, %c0_i32_1 : i32, i32, i32
  }
  func.func @transform_5(%arg0: i32) -> (i32, i32) {
    %c0_i32 = arith.constant 0 : i32
    %c0_i32_0 = arith.constant 0 : i32
    %c0_i32_1 = arith.constant 0 : i32
    return %c0_i32, %c0_i32_0 : i32, i32
  }
  func.func @transform_6(%arg0: i32) -> (i32, i32) {
    %c0_i32 = arith.constant 0 : i32
    %c0_i32_0 = arith.constant 0 : i32
    %c0_i32_1 = arith.constant 0 : i32
    return %c0_i32, %c0_i32_0 : i32, i32
  }
  func.func @transform_7(%arg0: i32) -> (i32, i32) {
    %c0_i32 = arith.constant 0 : i32
    %c0_i32_0 = arith.constant 0 : i32
    %c0_i32_1 = arith.constant 0 : i32
    return %c0_i32, %c0_i32_0 : i32, i32
  }
  func.func @transform_8(%arg0: i32) -> (i32, i32) {
    %c0_i32 = arith.constant 0 : i32
    %c0_i32_0 = arith.constant 0 : i32
    %c0_i32_1 = arith.constant 0 : i32
    return %c0_i32, %c0_i32_0 : i32, i32
  }
  func.func @transform_9(%arg0: i32) -> (i32, i32) {
    %c0_i32 = arith.constant 0 : i32
    %c0_i32_0 = arith.constant 0 : i32
    %c0_i32_1 = arith.constant 0 : i32
    return %c0_i32, %c0_i32_0 : i32, i32
  }
  func.func @transform_10(%arg0: i32) -> (i32, i32) {
    %c0_i32 = arith.constant 0 : i32
    %c0_i32_0 = arith.constant 0 : i32
    %c0_i32_1 = arith.constant 0 : i32
    return %c0_i32, %c0_i32_0 : i32, i32
  }
  func.func @transform_11(%arg0: i32) -> (i32, i32) {
    %c0_i32 = arith.constant 0 : i32
    %c0_i32_0 = arith.constant 0 : i32
    %c0_i32_1 = arith.constant 0 : i32
    return %c0_i32, %c0_i32_0 : i32, i32
  }
  func.func @transform_12(%arg0: i32) -> (i32, i32) {
    %c0_i32 = arith.constant 0 : i32
    %c0_i32_0 = arith.constant 0 : i32
    %c0_i32_1 = arith.constant 0 : i32
    return %c0_i32, %c0_i32_0 : i32, i32
  }
  func.func @transform_13(%arg0: i32) -> (i32, i32) {
    %c0_i32 = arith.constant 0 : i32
    %c0_i32_0 = arith.constant 0 : i32
    return %arg0, %c0_i32 : i32, i32
  }
}

</mosaic_0001>

<sc_bundles>
// kernel: kernel.5.cloned.1.call-start
scs
__scs_entry_jumppad:
0x0: {  	(pc) =	sbr.rel $0x88, $3  }
0x1: {  	(tag) =	ssettag $0x0;
	lr =	simm.s32 $0x1  }
0x2: {  	[smem:$0x3F95] =	sst lr;
	_ =	strace $0xD0000000  }
0x3: {  	_ = 	snop  }
0x4: {  	_ = 	snop  }
0x5: {  	_ = 	snop  }
0x6: {  	_ = 	snop  }
0x7: {  	_ = 	snop  }
__scs_overlays_trampoline_lowered:
0x8: {  	[smem:$0x3FA4] =	sst s0  }
0x9: {  	[smem:$0x3FA5] =	sst s1  }
0xa: {  	[smem:$0x3FA6] =	sst s2  }
0xb: {  	[smem:$0x3FA7] =	sst s3  }
0xc: {  	[smem:$0x3FA8] =	sst s4  }
0xd: {  	[smem:$0x3FA9] =	sst s5  }
0xe: {  	[smem:$0x3FAA] =	sst s6  }
0xf: {  	[smem:$0x3FAB] =	sst s7  }
0x10: {  	[smem:$0x3FAC] =	sst s8  }
0x11: {  	[smem:$0x3FAD] =	sst s9;
	s0 =	simm.s32 @!p0 $0x0  }
0x12: {  	s1 =	sld [smem:$0x3F93];
	s0 =	simm.s32 @p0 $0x1  }
0x13: {  	[smem:$0x3FAE] =	sst s0;
	s0 =	simm.s32 @!p1 $0x0  }
0x14: {  	s2 =	sld [smem:$0x3F92];
	s0 =	simm.s32 @p1 $0x1  }
0x15: {  	[smem:$0x3FAF] =	sst s0;
	s0 =	simm.s32 @!p2 $0x0  }
0x16: {  	s3 =	sld [smem:$0x3FDB];
	s0 =	simm.s32 @p2 $0x1  }
0x17: {  	s4 =	simm.s32 $0x1BF5;
	[smem:$0x3FB1] =	sst s0  }
0x18: {  	s0 =	sld [smem:$0x3F94];
	_ =	swait.ge [sflag:s4], $0x0  }
0x19: {  	s7 =	sld [smem:$0x3F95]  }
0x1a: {  	s8 =	sadd.s32 $0xFFFFE003, lr  }
0x1b: {  	s9 =	sadd.s32 $0xFFFFFEF7, lr;
	s5 =	simm.s32 $0xFFFFFFFF;
	p2 =	slt.u32 s8, $0xFFFFF086  }
0x1c: {  	p1 =	slt.u32 s9, $0xF7A;
	s5 =	simm.s32 @!p2 $0x0  }
0x1d: {  	s5 =	simm.s32 @p1 $0x1;
	p0 =	seq.s32 s7, s2  }
0x1e: {  	s7 =	smul.u32 @!p0 $0xF7A, s2;
	p2 =	seq.s32 @!p0 s5, $0x0  }
0x1f: {  	s9 =	smul.u32 $0xF7A, s1;
	s8 =	simm.s32 @!p0 $0x1BF5;
	p2 =	por !p2, p0  }
0x20: {  	[sflag:s8] =	ssyncset.s32 @!p0 $0xFFFFF086;
	s6 =	sadd.s32 @!p0 s3, s7;
	s7 =	simm.s32 @!p0 $0x108  }
0x21: {  	s3 =	sadd.s32 s3, s9;
	s6 =	sadd.s32 @!p0 $0x88, s6;
	s7 =	simm.s32 @p2 $0x1082  }
0x22: {  	[simem:s7], [sflag:s8] =	dma.local @!p0 [hbm:s6], $0xF7A  }
0x23: {  	s9 =	sor.u32 $0xD0000000, s2;
	s6 =	simm.s32 $0x108;
	_ =	swait.ge @!p0 [sflag:s8], $0x0  }
0x24: {  	s3 =	sadd.s32 $0x88, s3;
	s6 =	simm.s32 @!p1 $0x1082;
	[sflag:s4] =	ssyncset.s32 $0xFFFFF086  }
0x25: {  	[simem:s6], [sflag:s4] =	dma.local [hbm:s3], $0xF7A  }
0x26: {  	[smem:$0x3F95] =	sst s1;
	(tag) =	ssettag s2;
	_ =	strace s9  }
0x27: {  	s1 =	sld [smem:$0x3FA5]  }
0x28: {  	s2 =	sld [smem:$0x3FA6]  }
0x29: {  	s4 =	sld [smem:$0x3FA8]  }
0x2a: {  	p0 =	seq.s32 s5, $0x0;
	s5 =	sld [smem:$0x3FA9]  }
0x2b: {  	s6 =	sld [smem:$0x3FAA]  }
0x2c: {  	s7 =	sld [smem:$0x3FAB]  }
0x2d: {  	s3 =	simm.s32 $0x108;
	s8 =	sld [smem:$0x3FAC]  }
0x2e: {  	s3 =	simm.s32 @!p0 $0x1082;
	s9 =	sld [smem:$0x3FAD]  }
0x2f: {  	lr =	sadd.s32 s0, s3;
	s0 =	sld [smem:$0x3FA4]  }
0x30: {  	s3 =	sld [smem:$0x3FA7]  }
0x31: {  	[smem:$0x3FB0] =	sst s10  }
0x32: {  	s10 =	sld [smem:$0x3FAE];
	_ =	sdelay $0x3  }
0x33: {  	p0 =	seq.s32 s10, $0x1;
	s10 =	sld [smem:$0x3FB0];
	_ =	sdelay $0x3  }
0x34: {  	[smem:$0x3FB0] =	sst s10  }
0x35: {  	s10 =	sld [smem:$0x3FAF];
	_ =	sdelay $0x3  }
0x36: {  	p1 =	seq.s32 s10, $0x1;
	s10 =	sld [smem:$0x3FB0];
	_ =	sdelay $0x3  }
0x37: {  	[smem:$0x3FB0] =	sst s10  }
0x38: {  	s10 =	sld [smem:$0x3FB1]  }
0x39: {  	_ = 	snop;
	(pc) =	sbr.ind lr, $3  }
0x3a: {  	_ = 	snop  }
0x3b: {  	_ = 	snop  }
0x3c: {  	p2 =	seq.s32 s10, $0x1;
	s10 =	sld [smem:$0x3FB0]  }
0x3d: {  	_ =	shalt  }
0x3e: {  	_ =	shalt  }
0x3f: {  	_ =	shalt  }
0x40: {  	_ =	shalt  }
0x41: {  	_ =	shalt  }
0x42: {  	_ =	shalt  }
0x43: {  	_ =	shalt  }
0x44: {  	_ =	shalt  }
0x45: {  	_ =	shalt  }
0x46: {  	_ =	shalt  }
0x47: {  	_ =	shalt  }
0x48: {  	_ =	shalt  }
0x49: {  	_ =	shalt  }
0x4a: {  	_ =	shalt  }
0x4b: {  	_ =	shalt  }
0x4c: {  	_ =	shalt  }
0x4d: {  	_ =	shalt  }
0x4e: {  	_ =	shalt  }
0x4f: {  	_ =	shalt  }
0x50: {  	_ =	shalt  }
0x51: {  	_ =	shalt  }
0x52: {  	_ =	shalt  }
0x53: {  	_ =	shalt  }
0x54: {  	_ =	shalt  }
0x55: {  	_ =	shalt  }
0x56: {  	_ =	shalt  }
0x57: {  	_ =	shalt  }
0x58: {  	_ =	shalt  }
0x59: {  	_ =	shalt  }
0x5a: {  	_ =	shalt  }
0x5b: {  	_ =	shalt  }
0x5c: {  	_ =	shalt  }
0x5d: {  	_ =	shalt  }
0x5e: {  	_ =	shalt  }
0x5f: {  	_ =	shalt  }
0x60: {  	_ =	shalt  }
0x61: {  	_ =	shalt  }
0x62: {  	_ =	shalt  }
0x63: {  	_ =	shalt  }
0x64: {  	_ =	shalt  }
0x65: {  	_ =	shalt  }
0x66: {  	_ =	shalt  }
0x67: {  	_ =	shalt  }
0x68: {  	_ =	shalt  }
0x69: {  	_ =	shalt  }
0x6a: {  	_ =	shalt  }
0x6b: {  	_ =	shalt  }
0x6c: {  	_ =	shalt  }
0x6d: {  	_ =	shalt  }
0x6e: {  	_ =	shalt  }
0x6f: {  	_ =	shalt  }
0x70: {  	_ =	shalt  }
0x71: {  	_ =	shalt  }
0x72: {  	_ =	shalt  }
0x73: {  	_ =	shalt  }
0x74: {  	_ =	shalt  }
0x75: {  	_ =	shalt  }
0x76: {  	_ =	shalt  }
0x77: {  	_ =	shalt  }
0x78: {  	_ =	shalt  }
0x79: {  	_ =	shalt  }
0x7a: {  	_ =	shalt  }
0x7b: {  	_ =	shalt  }
0x7c: {  	_ =	shalt  }
0x7d: {  	_ =	shalt  }
0x7e: {  	_ =	shalt  }
0x7f: {  	_ =	shalt  }
0x80: {  	_ =	shalt  }
0x81: {  	_ =	shalt  }
0x82: {  	_ =	shalt  }
0x83: {  	_ =	shalt  }
0x84: {  	_ =	shalt  }
0x85: {  	_ =	shalt  }
0x86: {  	_ =	shalt  }
0x87: {  	_ =	shalt  }
.Lfunc_end0:
.L_simem_size_0:
called_computation_lowered:
.L_overlay_start_0:
0x88: {  	s2 =	sld [smem:$0x3FD9]  }
0x89: {  	s3 =	sld [smem:$0x3FFE];
	_ =	sdelay $0x1  }
0x8a: {  	s1 =	srdreg.scid  }
0x8b: {  	s0 =	sand.u32 $0x1, s1  }
0x8c: {  	s17 =	sshll.u32 s0, $0xA;
	s2 =	sadd.s32 s3, s2  }
0x8d: {  	s2 =	sadd.s32 s2, s17  }
0x8e: {  	[smem:$0x3FBC] =	sst s2  }
0x8f: {  	_ = 	snop  }
0x90: {  	s2 =	sld [smem:$0x3FD0];
	(tm) =	ssettm $0x1  }
0x91: {  	s18 =	sld [smem:$0x3FFB];
	_ =	sdelay $0x3  }
0x92: {  	_ =	strace s18  }
0x93: {  	s3 =	sld [smem:$0x3FFC];
	_ =	sdelay $0x3  }
0x94: {  	_ =	strace s3  }
0x95: {  	s3 =	sld [smem:$0x3FFD];
	_ =	sdelay $0x3  }
0x96: {  	_ =	strace s3  }
0x97: {  	_ =	strace $0x8FFFFFFF  }
0x98: {  	s19 =	sld [smem:$0x3FDB];
	_ =	sdelay $0x1  }
0x99: {  	s4 =	simm.s32 $_scs_section_size  }
0x9a: {  	s5 =	simm.s32 $_size__tile_overlayer_lowered;
	s6 =	simm.s32 $_tile_overlayer_lowered  }
0x9b: {  	s22 =	simm.s32 $0x1BFF;
	s21 =	sshll.u32 s6, $0x1;
	s3 =	sadd.s32 s4, s19  }
0x9c: {  	s7 =	simm.s32 $0x0;
	s20 =	sshll.u32 s5, $0x1;
	s5 =	sadd.s32 s21, s3  }
0x9d: {  	[timem:s7], [sflag:s22] =	dma.local [hbm:s5], s20  }
0x9e: {  	_ =	swait.ge [sflag:s22], s20  }
0x9f: {  	s4 =	ssub.s32 $0x0, s20;
	[sflag:s22] =	ssyncset.done $0x0  }
0xa0: {  	[sflag:s22] =	ssyncadd.s32 s4;
	_ =	sdelay $0x1  }
0xa1: {  	s23 =	simm.s32 $0x1B8B  }
0xa2: {  	_ =	swait.ge [sflag:s23], $0x1  }
0xa3: {  	[sflag:s23] =	ssyncset.done $0x0  }
0xa4: {  	s25 =	simm.s32 $0x1B8E;
	s24 =	sld [smem:$0x3FFE];
	[sflag:s23] =	ssyncadd.s32 $0xFFFFFFFF  }
0xa5: {  	s26 =	simm.s32 $execute0_lowered;
	[smem:$0x3FD2] =	sst s25  }
0xa6: {  	s5 =	sshll.u32 s26, $0x1;
	_ =	strace $0x80000046;
	[dreg:$0x1] =	wrdreg $0xFFFFFFFF  }
0xa7: {  	s28 =	simm.s32 $_size_execute0_lowered;
	s3 =	sadd.s32 s3, s5;
	[dreg:$0x0] =	wrdreg $0x0  }
0xa8: {  	s5 =	sshll.u32 s28, $0x1;
	[dreg:$0x2] =	wrdreg s3  }
0xa9: {  	[dreg:$0x3] =	wrdreg s5  }
0xaa: {  	[dreg:$0x4] =	wrdreg $0xC0  }
0xab: {  	_ =	task [dreg:s7], $0x5FFFF  }
0xac: {  	[dreg:$0x1] =	wrdreg $0xFFFFFFFF  }
0xad: {  	[dreg:$0x0] =	wrdreg $0x60  }
0xae: {  	[dreg:$0x2] =	wrdreg s2  }
0xaf: {  	[dreg:$0x3] =	wrdreg s24  }
0xb0: {  	[dreg:$0x4] =	wrdreg $0xB8000  }
0xb1: {  	[dreg:$0x5] =	wrdreg $0x9  }
0xb2: {  	_ =	task.clear_ibuf [dreg:s7], $0x6FFFF;
	_ =	strace $0x90000046  }
0xb3: {  	s29 =	simm.s32 $0x9;
	_ =	strace $0x80000048  }
0xb4: {  	_ =	swait.ge [sflag:s29], $0x1  }
0xb5: {  	[sflag:s29] =	ssyncadd.s32 $0xFFFFFFFF  }
0xb6: {  	_ =	strace $0x90000048  }
0xb7: {  	_ =	sfence  }
0xb8: {  	s30 =	sld [smem:$0x0];
	_ =	sdelay $0x2  }
0xb9: {  	s31 =	sshll.u32 s1, $0xD;
	s1 =	sshrl.u32 s1, $0x2  }
0xba: {  	s3 =	sand.u32 $0x4000, s31;
	s1 =	sadd.s32 s1, s30  }
0xbb: {  	s0 =	sor.u32 s3, s0;
	s1 =	sshll.u32 s1, $0x11  }
0xbc: {  	s0 =	sor.u32 s1, s0  }
0xbd: {  	s0 =	sadd.s32 $0x8F2B, s0  }
0xbe: {  	[sflag:s0] =	ssyncadd.remote.s32 $0x1  }
0xbf: {  	_ =	sfence.sel $0xFFFF  }
0xc0: {  	[dreg:$0x0] =	wrdreg $0xFFFFFFFF;
	(pc) =	sbr.abs _section_cstart, $3  }
0xc1: {  	[dreg:$0x1] =	wrdreg $0xFFFFFFFF  }
0xc2: {  	_ =	task.clear_ibuf [dreg:s7], $0x2FFFF;
	_ =	strace $0x9FFFFFFF  }
0xc3: {  	(tm) =	ssettm $0x7FFFFFFF  }
tec
execute0_lowered:
.L_overlay_start_1:
0x0: {  	(tag) =	ssettag $0x1  }
0x1: {  	s1 =	rddreg [dreg:$0x0]  }
0x2: {  	s0 =	srdreg.scid;
	s2 =	rddreg [dreg:$0x1]  }
0x3: {  	s12 =	stileid.u32;
	s3 =	rddreg [dreg:$0x2];
	s28 =	simm.s32 $0x80  }
0x4: {  	s29 =	simm.s32 $0x9000;
	s30 =	simm.s32 $0x1;
	s31 =	simm.s32 $0x880  }
0x5: {  	s0 =	sand.u32 $0x1, s0;
	s6 =	sshll.u32 s12, $0x7;
	s11 =	smul.u32 $0x50000, s12  }
0x6: {  	s10 =	sadd.s32 $0x20600, s2;
	s13 =	smul.u32 $0x14000, s12;
	s4 =	sshll.u32 s0, $0x4  }
0x7: {  	s9 =	sand.u32 $0x380, s6;
	s6 =	sadd.s32 $0xC600, s2;
	s25 =	ssub.s32 $0x2, s0  }
0x8: {  	s0 =	smul.u32 $0x140000, s0;
	s7 =	sor.u32 s12, s4;
	s4 =	simm.s32 $0x0  }
0x9: {  	s26 =	sshrl.u32 s25, $0x1;
	s11 =	sshrl.u32 s11, $0x2;
	s18 =	sadd.s32 $0x4000, s13  }
0xa: {  	s22 =	sadd.s32 $0x8000, s13;
	s5 =	sshrl.u32 s7, $0x3;
	s7 =	smul.u32 $0x2800, s7  }
0xb: {  	s12 =	simm.s32 $0xF80;
	[smem:$0x7FF] =	sst s4;
	s8 =	smul.u32 $0x14000, s5  }
0xc: {  	s17 =	sadd.s32 s0, s13;
	s20 =	sadd.s32 s0, s18;
	s23 =	sadd.s32 s0, s22  }
0xd: {  	s24 =	sadd.s32 s22, s3;
	_ =	strace $0x80000047;
	s8 =	sor.u32 s9, s8  }
0xe: {  	s5 =	sadd.s32 $0x2600, s2;
	s9 =	ssub.s32 s25, s26;
	s8 =	sshrl.u32 s8, $0x3  }
0xf: {  	[dreg:$0xd] =	wrdreg s24;
	s9 =	smax.u32 s9, $0x1;
	s2 =	sadd.s32 s8, s2  }
0x10: {  	s8 =	sadd.s32 s11, s3;
	[dreg:$0x5] =	wrdreg s9;
	s11 =	sadd.s32 s18, s3  }
0x11: {  	s21 =	sshrl.u32 s20, $0x3;
	s2 =	sadd.s32 $0x16600, s2;
	[dreg:$0xb] =	wrdreg s11  }
0x12: {  	s24 =	simm.s32 $0x1000;
	s14 =	sadd.s32 $0x4000, s8;
	[dreg:$0x4] =	wrdreg s2  }
0x13: {  	s25 =	sadd.s32 $0xC000, s13;
	s15 =	sadd.s32 $0x8000, s8;
	[dreg:$0x6] =	wrdreg s14  }
0x14: {  	s26 =	sadd.s32 s0, s25;
	s16 =	sadd.s32 $0xC000, s8;
	[dreg:$0x7] =	wrdreg s15  }
0x15: {  	s9 =	sshrl.u32 s17, $0x3;
	s19 =	sadd.s32 $0x10000, s8;
	[dreg:$0x8] =	wrdreg s16  }
0x16: {  	s9 =	sadd.s32 s10, s9;
	s11 =	sadd.s32 s25, s3;
	[dreg:$0x9] =	wrdreg s19  }
0x17: {  	s25 =	simm.s32 $0x5;
	[dreg:$0xa] =	wrdreg s9;
	s9 =	sadd.s32 s10, s21  }
0x18: {  	s2 =	sadd.s32 $0x10000, s13;
	[dreg:$0xf] =	wrdreg s11;
	s11 =	simm.s32 $0x4  }
0x19: {  	s13 =	simm.s32 $0x700;
	s14 =	simm.s32 $0x780;
	s15 =	simm.s32 $0x0  }
0x1a: {  	[dreg:$0xc] =	wrdreg s9;
	s9 =	sshrl.u32 s23, $0x3;
	s0 =	sadd.s32 s0, s2  }
0x1b: {  	s22 =	sadd.s32 s2, s3;
	s2 =	simm.s32 $0x5000;
	s9 =	sadd.s32 s10, s9  }
0x1c: {  	s0 =	sshrl.u32 s0, $0x3;
	[dreg:$0xe] =	wrdreg s9;
	s9 =	sshrl.u32 s26, $0x3  }
0x1d: {  	s23 =	sadd.s32 s10, s0;
	s26 =	simm.s32 $0x800;
	s0 =	simm.s32 $0x2  }
0x1e: {  	v0 =	vimm.f32 $0.0e+00;
	v1 =	vimm.s32 $0x0;
	v2 =	vimm.s32 $0x1;
	s21 =	sadd.s32 s10, s9;
	s9 =	simm.s32 $0x3;
	s10 =	simm.s32 $0x900  }
.LBB2_1:
0x1f: {  	s16 =	simm.s32 $0x0;
	s17 =	simm.s32 $0x200  }
.LBB2_2:
0x20: {  	p0 =	sne.s32 s17, $0xFE00;
	[tilespmem:s16+$0x1070] =	vst v0  }
0x21: {  	[tilespmem:s16+$0x1000] =	vst v0  }
0x22: {  	[tilespmem:s16+$0x1010] =	vst v0  }
.Ltmp0:
0x23: {  	[tilespmem:s16+$0x1020] =	vst v0;
	(pc) =	sbr.rel @p0 .LBB2_2-.Ltmp0, $4  }
0x24: {  	[tilespmem:s16+$0x1030] =	vst v0  }
0x25: {  	[tilespmem:s16+$0x1040] =	vst v0  }
0x26: {  	[tilespmem:s16+$0x1050] =	vst v0  }
0x27: {  	[tilespmem:s16+$0x1060] =	vst v0;
	s16 =	sshra.s32 s17, $0x2;
	s17 =	sadd.s32 $0x200, s17  }
0x28: {  	[tilespmem:s16+$0x1070] =	vst v0  }
0x29: {  	[tilespmem:s16+$0x1000] =	vst v0  }
0x2a: {  	[tilespmem:s16+$0x1010] =	vst v0  }
0x2b: {  	[tilespmem:s16+$0x1020] =	vst v0  }
0x2c: {  	[tilespmem:s16+$0x1030] =	vst v0  }
0x2d: {  	[tilespmem:s16+$0x1040] =	vst v0  }
0x2e: {  	[tilespmem:s16+$0x1050] =	vst v0  }
0x2f: {  	[tilespmem:s16+$0x1060] =	vst v0  }
0x30: {  	[spmem:s8] =	stream.linear.scatter [tilespmem:s24], [sflag:$0x5], $0x4000, $0x38;
	[tilespmem:$0x1F800] =	vst v63  }
0x31: {  	_ =	swait.ge [sflag:s25], $0x4000  }
0x32: {  	[sflag:s25] =	ssyncset.done $0x0  }
0x33: {  	s17 =	rddreg [dreg:$0x6];
	[sflag:s25] =	ssyncadd.s32 $0xFFFFC000  }
0x34: {  	[spmem:s17] =	stream.linear.scatter [tilespmem:s24], [sflag:$0x5], $0x4000, $0x38;
	[tilespmem:$0x1F800] =	vst v63  }
0x35: {  	_ =	swait.ge [sflag:s25], $0x4000  }
0x36: {  	[sflag:s25] =	ssyncset.done $0x0  }
0x37: {  	s18 =	rddreg [dreg:$0x7];
	[sflag:s25] =	ssyncadd.s32 $0xFFFFC000  }
0x38: {  	[spmem:s18] =	stream.linear.scatter [tilespmem:s24], [sflag:$0x5], $0x4000, $0x38;
	[tilespmem:$0x1F800] =	vst v63  }
0x39: {  	_ =	swait.ge [sflag:s25], $0x4000  }
0x3a: {  	[sflag:s25] =	ssyncset.done $0x0  }
0x3b: {  	s19 =	rddreg [dreg:$0x8];
	[sflag:s25] =	ssyncadd.s32 $0xFFFFC000  }
0x3c: {  	[spmem:s19] =	stream.linear.scatter [tilespmem:s24], [sflag:$0x5], $0x4000, $0x38;
	[tilespmem:$0x1F800] =	vst v63  }
0x3d: {  	_ =	swait.ge [sflag:s25], $0x4000  }
0x3e: {  	[sflag:s25] =	ssyncset.done $0x0  }
0x3f: {  	s20 =	rddreg [dreg:$0x9];
	[sflag:s25] =	ssyncadd.s32 $0xFFFFC000  }
0x40: {  	[spmem:s20] =	stream.linear.scatter [tilespmem:s24], [sflag:$0x5], $0x4000, $0x38;
	[tilespmem:$0x1F800] =	vst v63  }
0x41: {  	_ =	swait.ge [sflag:s25], $0x4000  }
0x42: {  	[sflag:s25] =	ssyncset.done $0x0  }
0x43: {  	s16 =	simm.s32 $0x40;
	s17 =	simm.s32 $0x0;
	[sflag:s25] =	ssyncadd.s32 $0xFFFFC000  }
.LBB2_4:
0x44: {  	p0 =	sne.s32 s16, $0x9FC0;
	[tilespmem:s17+$0x9000] =	vst v1;
	s17 =	smov.u32 s16;
	s16 =	sadd.s32 $0x40, s16  }
.Ltmp1:
0x45: {  	(pc) =	sbr.rel @p0 .LBB2_4-.Ltmp1, $2  }
0x46: {  	_ =	sdelay $0x2  }
0x47: {  	s17 =	sshra.s32 s17, $0x2  }
0x48: {  	[tilespmem:s17+$0x9000] =	vst v1  }
0x49: {  	s16 =	simm.s32 $0x0;
	s17 =	simm.s32 $0x0;
	[bflag:$0x0] =	sbarrier.arrive $0xFFFF  }
.LBB2_6:
0x4a: {  	s18 =	sshll.u32 s17, $0xB  }
0x4b: {  	s18 =	sadd.s32 s7, s18  }
0x4c: {  	s18 =	sshrl.u32 s18, $0x3  }
0x4d: {  	s19 =	sadd.s32 s5, s18  }
0x4e: {  	[tilespmem:s16], [sflag:$0x5] =	stream.linear.gather [hbm4b:s19+s16], $0x800, $0x38;
	[tilespmem:$0x1F800] =	vst v63  }
0x4f: {  	_ =	swait.ge [sflag:s25], $0x800  }
0x50: {  	[sflag:s25] =	ssyncset.done $0x0  }
0x51: {  	s18 =	sadd.s32 s6, s18;
	[sflag:s25] =	ssyncadd.s32 $0xFFFFF800  }
0x52: {  	[tilespmem:s26], [sflag:$0x5] =	stream.linear.gather [hbm4b:s18+s16], $0x800, $0x38;
	[tilespmem:$0x1F800] =	vst v63  }
0x53: {  	_ =	swait.ge [sflag:s25], $0x800  }
0x54: {  	[sflag:s25] =	ssyncset.done $0x0  }
0x55: {  	[sflag:s25] =	ssyncadd.s32 $0xFFFFF800  }
0x56: {  	[tilespmem:s24], [sflag:$0x1] =	stream.indirect.gather [hbm4b:s1+s28], $0x80, s26, s28, $0xb8;
	[tilespmem:$0x1F800] =	vst v63  }
0x57: {  	v3 =	vld [tilespmem:$0x0];
	_ =	sdelay $0x7  }
0x58: {  	[tilespmem:v3+s29+$0x0] =	vst.idx.add.s32.msk $0xffff, v2  }
0x59: {  	v3 =	vld [tilespmem:$0x10];
	_ =	sdelay $0x7  }
0x5a: {  	[tilespmem:v3+s29+$0x0] =	vst.idx.add.s32.msk $0xffff, v2  }
0x5b: {  	v3 =	vld [tilespmem:$0x20];
	_ =	sdelay $0x7  }
0x5c: {  	[tilespmem:v3+s29+$0x0] =	vst.idx.add.s32.msk $0xffff, v2  }
0x5d: {  	v3 =	vld [tilespmem:$0x30];
	_ =	sdelay $0x7  }
0x5e: {  	[tilespmem:v3+s29+$0x0] =	vst.idx.add.s32.msk $0xffff, v2  }
0x5f: {  	v3 =	vld [tilespmem:$0x40];
	_ =	sdelay $0x7  }
0x60: {  	[tilespmem:v3+s29+$0x0] =	vst.idx.add.s32.msk $0xffff, v2  }
0x61: {  	v3 =	vld [tilespmem:$0x50];
	_ =	sdelay $0x7  }
0x62: {  	[tilespmem:v3+s29+$0x0] =	vst.idx.add.s32.msk $0xffff, v2  }
0x63: {  	v3 =	vld [tilespmem:$0x60];
	_ =	sdelay $0x7  }
0x64: {  	[tilespmem:v3+s29+$0x0] =	vst.idx.add.s32.msk $0xffff, v2  }
0x65: {  	v3 =	vld [tilespmem:$0x70];
	_ =	sdelay $0x7  }
0x66: {  	[tilespmem:v3+s29+$0x0] =	vst.idx.add.s32.msk $0xffff, v2  }
0x67: {  	_ =	swait.ge [sflag:s30], $0x4000  }
0x68: {  	[sflag:s30] =	ssyncset.done $0x0  }
0x69: {  	[sflag:s30] =	ssyncadd.s32 $0xFFFFC000  }
0x6a: {  	[tilespmem:s2], [sflag:$0x2] =	stream.indirect.gather [hbm4b:s1+s28], $0x80, s31, s28, $0xb8;
	[tilespmem:$0x1F800] =	vst v63  }
0x6b: {  	_ = 	snop  }
0x6c: {  	[spmem:s3] =	stream.indirect.scatter.add.f32 [tilespmem:s24], [sflag:$0x3], $0x80, s16, s28, $0xb8;
	[tilespmem:$0x1F800] =	vst v63  }
0x6d: {  	v3 =	vld [tilespmem:$0x80];
	_ =	sdelay $0x7  }
0x6e: {  	[tilespmem:v3+s29+$0x0] =	vst.idx.add.s32.msk $0xffff, v2  }
0x6f: {  	v3 =	vld [tilespmem:$0x90];
	_ =	sdelay $0x7  }
0x70: {  	[tilespmem:v3+s29+$0x0] =	vst.idx.add.s32.msk $0xffff, v2  }
0x71: {  	v3 =	vld [tilespmem:$0xA0];
	_ =	sdelay $0x7  }
0x72: {  	[tilespmem:v3+s29+$0x0] =	vst.idx.add.s32.msk $0xffff, v2  }
0x73: {  	v3 =	vld [tilespmem:$0xB0];
	_ =	sdelay $0x7  }
0x74: {  	[tilespmem:v3+s29+$0x0] =	vst.idx.add.s32.msk $0xffff, v2  }
0x75: {  	v3 =	vld [tilespmem:$0xC0];
	_ =	sdelay $0x7  }
0x76: {  	[tilespmem:v3+s29+$0x0] =	vst.idx.add.s32.msk $0xffff, v2  }
0x77: {  	v3 =	vld [tilespmem:$0xD0];
	_ =	sdelay $0x7  }
0x78: {  	[tilespmem:v3+s29+$0x0] =	vst.idx.add.s32.msk $0xffff, v2  }
0x79: {  	v3 =	vld [tilespmem:$0xE0];
	_ =	sdelay $0x7  }
0x7a: {  	[tilespmem:v3+s29+$0x0] =	vst.idx.add.s32.msk $0xffff, v2  }
0x7b: {  	v3 =	vld [tilespmem:$0xF0];
	_ =	sdelay $0x7  }
0x7c: {  	[tilespmem:v3+s29+$0x0] =	vst.idx.add.s32.msk $0xffff, v2  }
0x7d: {  	_ =	swait.ge [sflag:s0], $0x4000  }
0x7e: {  	[sflag:s0] =	ssyncset.done $0x0  }
0x7f: {  	[sflag:s0] =	ssyncadd.s32 $0xFFFFC000  }
0x80: {  	_ =	swait.ge [sflag:s9], $0x4000  }
0x81: {  	[sflag:s9] =	ssyncset.done $0x0  }
0x82: {  	[sflag:s9] =	ssyncadd.s32 $0xFFFFC000  }
0x83: {  	[tilespmem:s24], [sflag:$0x1] =	stream.indirect.gather [hbm4b:s1+s28], $0x80, s10, s28, $0xb8;
	[tilespmem:$0x1F800] =	vst v63  }
0x84: {  	s18 =	simm.s32 $0x0  }
0x85: {  	[spmem:s3] =	stream.indirect.scatter.add.f32 [tilespmem:s2], [sflag:$0x4], $0x80, s28, s28, $0xb8;
	[tilespmem:$0x1F800] =	vst v63  }
.LBB2_7:
0x86: {  	s19 =	sshra.s32 s18, $0x2  }
0x87: {  	v3 =	vld [tilespmem:s19+$0x100];
	_ =	sdelay $0x7  }
0x88: {  	[tilespmem:v3+s29+$0x0] =	vst.idx.add.s32.msk $0xffff, v2  }
0x89: {  	v3 =	vld [tilespmem:s19+$0x110];
	_ =	sdelay $0x7  }
0x8a: {  	[tilespmem:v3+s29+$0x0] =	vst.idx.add.s32.msk $0xffff, v2  }
0x8b: {  	v3 =	vld [tilespmem:s19+$0x120];
	_ =	sdelay $0x7  }
0x8c: {  	[tilespmem:v3+s29+$0x0] =	vst.idx.add.s32.msk $0xffff, v2  }
0x8d: {  	v3 =	vld [tilespmem:s19+$0x130];
	_ =	sdelay $0x7  }
0x8e: {  	[tilespmem:v3+s29+$0x0] =	vst.idx.add.s32.msk $0xffff, v2  }
0x8f: {  	v3 =	vld [tilespmem:s19+$0x140];
	_ =	sdelay $0x7  }
0x90: {  	[tilespmem:v3+s29+$0x0] =	vst.idx.add.s32.msk $0xffff, v2  }
0x91: {  	v3 =	vld [tilespmem:s19+$0x150];
	_ =	sdelay $0x7  }
0x92: {  	[tilespmem:v3+s29+$0x0] =	vst.idx.add.s32.msk $0xffff, v2  }
0x93: {  	v3 =	vld [tilespmem:s19+$0x160];
	_ =	sdelay $0x7  }
0x94: {  	[tilespmem:v3+s29+$0x0] =	vst.idx.add.s32.msk $0xffff, v2  }
0x95: {  	v3 =	vld [tilespmem:s19+$0x170];
	_ =	sdelay $0x7  }
0x96: {  	[tilespmem:v3+s29+$0x0] =	vst.idx.add.s32.msk $0xffff, v2  }
0x97: {  	_ =	swait.ge [sflag:s30], $0x4000  }
0x98: {  	[sflag:s30] =	ssyncset.done $0x0  }
0x99: {  	[sflag:s30] =	ssyncadd.s32 $0xFFFFC000  }
0x9a: {  	_ =	swait.ge [sflag:s11], $0x4000  }
0x9b: {  	[sflag:s11] =	ssyncset.done $0x0  }
0x9c: {  	s20 =	sadd.s32 $0x980, s19;
	[sflag:s11] =	ssyncadd.s32 $0xFFFFC000  }
0x9d: {  	[tilespmem:s2], [sflag:$0x2] =	stream.indirect.gather [hbm4b:s1+s28], $0x80, s20, s28, $0xb8;
	[tilespmem:$0x1F800] =	vst v63  }
0x9e: {  	s20 =	sadd.s32 $0x100, s19  }
0x9f: {  	[spmem:s3] =	stream.indirect.scatter.add.f32 [tilespmem:s24], [sflag:$0x3], $0x80, s20, s28, $0xb8;
	[tilespmem:$0x1F800] =	vst v63  }
0xa0: {  	v3 =	vld [tilespmem:s19+$0x180];
	_ =	sdelay $0x7  }
0xa1: {  	[tilespmem:v3+s29+$0x0] =	vst.idx.add.s32.msk $0xffff, v2  }
0xa2: {  	v3 =	vld [tilespmem:s19+$0x190];
	_ =	sdelay $0x7  }
0xa3: {  	[tilespmem:v3+s29+$0x0] =	vst.idx.add.s32.msk $0xffff, v2  }
0xa4: {  	v3 =	vld [tilespmem:s19+$0x1A0];
	_ =	sdelay $0x7  }
0xa5: {  	[tilespmem:v3+s29+$0x0] =	vst.idx.add.s32.msk $0xffff, v2  }
0xa6: {  	v3 =	vld [tilespmem:s19+$0x1B0];
	_ =	sdelay $0x7  }
0xa7: {  	[tilespmem:v3+s29+$0x0] =	vst.idx.add.s32.msk $0xffff, v2  }
0xa8: {  	v3 =	vld [tilespmem:s19+$0x1C0];
	_ =	sdelay $0x7  }
0xa9: {  	[tilespmem:v3+s29+$0x0] =	vst.idx.add.s32.msk $0xffff, v2  }
0xaa: {  	v3 =	vld [tilespmem:s19+$0x1D0];
	_ =	sdelay $0x7  }
0xab: {  	[tilespmem:v3+s29+$0x0] =	vst.idx.add.s32.msk $0xffff, v2  }
0xac: {  	v3 =	vld [tilespmem:s19+$0x1E0];
	_ =	sdelay $0x7  }
0xad: {  	[tilespmem:v3+s29+$0x0] =	vst.idx.add.s32.msk $0xffff, v2  }
0xae: {  	v3 =	vld [tilespmem:s19+$0x1F0];
	_ =	sdelay $0x7  }
0xaf: {  	[tilespmem:v3+s29+$0x0] =	vst.idx.add.s32.msk $0xffff, v2  }
0xb0: {  	_ =	swait.ge [sflag:s0], $0x4000  }
0xb1: {  	[sflag:s0] =	ssyncset.done $0x0  }
0xb2: {  	[sflag:s0] =	ssyncadd.s32 $0xFFFFC000  }
0xb3: {  	p0 =	sne.s32 s18, $0x1400;
	_ =	swait.ge [sflag:s9], $0x4000  }
.Ltmp2:
0xb4: {  	[sflag:s9] =	ssyncset.done $0x0;
	(pc) =	sbr.rel @p0 .LBB2_7-.Ltmp2, $4  }
0xb5: {  	s20 =	sadd.s32 $0xA00, s19;
	[sflag:s9] =	ssyncadd.s32 $0xFFFFC000  }
0xb6: {  	[tilespmem:s24], [sflag:$0x1] =	stream.indirect.gather [hbm4b:s1+s28], $0x80, s20, s28, $0xb8;
	[tilespmem:$0x1F800] =	vst v63  }
0xb7: {  	s18 =	sadd.s32 $0x400, s18;
	s19 =	sadd.s32 $0x180, s19  }
0xb8: {  	[spmem:s3] =	stream.indirect.scatter.add.f32 [tilespmem:s2], [sflag:$0x4], $0x80, s19, s28, $0xb8;
	[tilespmem:$0x1F800] =	vst v63  }
0xb9: {  	v3 =	vld [tilespmem:$0x700];
	_ =	sdelay $0x7  }
0xba: {  	[tilespmem:v3+s29+$0x0] =	vst.idx.add.s32.msk $0xffff, v2  }
0xbb: {  	v3 =	vld [tilespmem:$0x710];
	_ =	sdelay $0x7  }
0xbc: {  	[tilespmem:v3+s29+$0x0] =	vst.idx.add.s32.msk $0xffff, v2  }
0xbd: {  	v3 =	vld [tilespmem:$0x720];
	_ =	sdelay $0x7  }
0xbe: {  	[tilespmem:v3+s29+$0x0] =	vst.idx.add.s32.msk $0xffff, v2  }
0xbf: {  	v3 =	vld [tilespmem:$0x730];
	_ =	sdelay $0x7  }
0xc0: {  	[tilespmem:v3+s29+$0x0] =	vst.idx.add.s32.msk $0xffff, v2  }
0xc1: {  	v3 =	vld [tilespmem:$0x740];
	_ =	sdelay $0x7  }
0xc2: {  	[tilespmem:v3+s29+$0x0] =	vst.idx.add.s32.msk $0xffff, v2  }
0xc3: {  	v3 =	vld [tilespmem:$0x750];
	_ =	sdelay $0x7  }
0xc4: {  	[tilespmem:v3+s29+$0x0] =	vst.idx.add.s32.msk $0xffff, v2  }
0xc5: {  	v3 =	vld [tilespmem:$0x760];
	_ =	sdelay $0x7  }
0xc6: {  	[tilespmem:v3+s29+$0x0] =	vst.idx.add.s32.msk $0xffff, v2  }
0xc7: {  	v3 =	vld [tilespmem:$0x770];
	_ =	sdelay $0x7  }
0xc8: {  	[tilespmem:v3+s29+$0x0] =	vst.idx.add.s32.msk $0xffff, v2  }
0xc9: {  	_ =	swait.ge [sflag:s30], $0x4000  }
0xca: {  	[sflag:s30] =	ssyncset.done $0x0  }
0xcb: {  	[sflag:s30] =	ssyncadd.s32 $0xFFFFC000  }
0xcc: {  	_ =	swait.ge [sflag:s11], $0x4000  }
0xcd: {  	[sflag:s11] =	ssyncset.done $0x0  }
0xce: {  	[sflag:s11] =	ssyncadd.s32 $0xFFFFC000  }
0xcf: {  	[tilespmem:s2], [sflag:$0x2] =	stream.indirect.gather [hbm4b:s1+s28], $0x80, s12, s28, $0xb8;
	[tilespmem:$0x1F800] =	vst v63  }
0xd0: {  	_ = 	snop  }
0xd1: {  	[spmem:s3] =	stream.indirect.scatter.add.f32 [tilespmem:s24], [sflag:$0x3], $0x80, s13, s28, $0xb8;
	[tilespmem:$0x1F800] =	vst v63  }
0xd2: {  	v3 =	vld [tilespmem:$0x780];
	_ =	sdelay $0x7  }
0xd3: {  	[tilespmem:v3+s29+$0x0] =	vst.idx.add.s32.msk $0xffff, v2  }
0xd4: {  	v3 =	vld [tilespmem:$0x790];
	_ =	sdelay $0x7  }
0xd5: {  	[tilespmem:v3+s29+$0x0] =	vst.idx.add.s32.msk $0xffff, v2  }
0xd6: {  	v3 =	vld [tilespmem:$0x7A0];
	_ =	sdelay $0x7  }
0xd7: {  	[tilespmem:v3+s29+$0x0] =	vst.idx.add.s32.msk $0xffff, v2  }
0xd8: {  	v3 =	vld [tilespmem:$0x7B0];
	_ =	sdelay $0x7  }
0xd9: {  	[tilespmem:v3+s29+$0x0] =	vst.idx.add.s32.msk $0xffff, v2  }
0xda: {  	v3 =	vld [tilespmem:$0x7C0];
	_ =	sdelay $0x7  }
0xdb: {  	[tilespmem:v3+s29+$0x0] =	vst.idx.add.s32.msk $0xffff, v2  }
0xdc: {  	v3 =	vld [tilespmem:$0x7D0];
	_ =	sdelay $0x7  }
0xdd: {  	[tilespmem:v3+s29+$0x0] =	vst.idx.add.s32.msk $0xffff, v2  }
0xde: {  	v3 =	vld [tilespmem:$0x7E0];
	_ =	sdelay $0x7  }
0xdf: {  	[tilespmem:v3+s29+$0x0] =	vst.idx.add.s32.msk $0xffff, v2  }
0xe0: {  	v3 =	vld [tilespmem:$0x7F0];
	_ =	sdelay $0x7  }
0xe1: {  	[tilespmem:v3+s29+$0x0] =	vst.idx.add.s32.msk $0xffff, v2  }
0xe2: {  	_ =	swait.ge [sflag:s0], $0x4000  }
0xe3: {  	[sflag:s0] =	ssyncset.done $0x0  }
0xe4: {  	[sflag:s0] =	ssyncadd.s32 $0xFFFFC000  }
0xe5: {  	s17 =	sadd.s32 $0x1, s17;
	_ =	swait.ge [sflag:s9], $0x4000  }
0xe6: {  	p0 =	sne.s32 s17, $0x5;
	[sflag:s9] =	ssyncset.done $0x0  }
.Ltmp3:
0xe7: {  	[sflag:s9] =	ssyncadd.s32 $0xFFFFC000;
	(pc) =	sbr.rel @p0 .LBB2_6-.Ltmp3, $4  }
0xe8: {  	[spmem:s3] =	stream.indirect.scatter.add.f32 [tilespmem:s2], [sflag:$0x4], $0x80, s14, s28, $0xb8;
	[tilespmem:$0x1F800] =	vst v63  }
0xe9: {  	_ =	swait.ge [sflag:s11], $0x4000  }
0xea: {  	[sflag:s11] =	ssyncset.done $0x0  }
0xeb: {  	[sflag:s11] =	ssyncadd.s32 $0xFFFFC000  }
0xec: {  	[bflag:$0x0] =	sbarrier.arrive $0xFFFF  }
0xed: {  	[tilespmem:s24], [sflag:$0x5] =	stream.linear.gather [spmem:s8], $0x4000, $0x38;
	[tilespmem:$0x1F800] =	vst v63  }
0xee: {  	_ =	swait.ge [sflag:s25], $0x4000  }
0xef: {  	[sflag:s25] =	ssyncset.done $0x0  }
0xf0: {  	s16 =	rddreg [dreg:$0xa];
	[sflag:s25] =	ssyncadd.s32 $0xFFFFC000  }
0xf1: {  	[hbm4b:s16+s4] =	stream.linear.scatter [tilespmem:s24], [sflag:$0x5], $0x4000, $0x38;
	[tilespmem:$0x1F800] =	vst v63  }
0xf2: {  	_ =	swait.ge [sflag:s25], $0x4000  }
0xf3: {  	[sflag:s25] =	ssyncset.done $0x0  }
0xf4: {  	s18 =	rddreg [dreg:$0xb];
	[sflag:s25] =	ssyncadd.s32 $0xFFFFC000  }
0xf5: {  	[tilespmem:s24], [sflag:$0x5] =	stream.linear.gather [spmem:s18], $0x4000, $0x38;
	[tilespmem:$0x1F800] =	vst v63  }
0xf6: {  	_ =	swait.ge [sflag:s25], $0x4000  }
0xf7: {  	[sflag:s25] =	ssyncset.done $0x0  }
0xf8: {  	s19 =	rddreg [dreg:$0xc];
	[sflag:s25] =	ssyncadd.s32 $0xFFFFC000  }
0xf9: {  	[hbm4b:s19+s4] =	stream.linear.scatter [tilespmem:s24], [sflag:$0x5], $0x4000, $0x38;
	[tilespmem:$0x1F800] =	vst v63  }
0xfa: {  	_ =	swait.ge [sflag:s25], $0x4000  }
0xfb: {  	[sflag:s25] =	ssyncset.done $0x0  }
0xfc: {  	s20 =	rddreg [dreg:$0xd];
	[sflag:s25] =	ssyncadd.s32 $0xFFFFC000  }
0xfd: {  	[tilespmem:s24], [sflag:$0x5] =	stream.linear.gather [spmem:s20], $0x4000, $0x38;
	[tilespmem:$0x1F800] =	vst v63  }
0xfe: {  	_ =	swait.ge [sflag:s25], $0x4000  }
0xff: {  	[sflag:s25] =	ssyncset.done $0x0  }
0x100: {  	s17 =	rddreg [dreg:$0xe];
	[sflag:s25] =	ssyncadd.s32 $0xFFFFC000  }
0x101: {  	[hbm4b:s17+s4] =	stream.linear.scatter [tilespmem:s24], [sflag:$0x5], $0x4000, $0x38;
	[tilespmem:$0x1F800] =	vst v63  }
0x102: {  	_ =	swait.ge [sflag:s25], $0x4000  }
0x103: {  	[sflag:s25] =	ssyncset.done $0x0  }
0x104: {  	s18 =	rddreg [dreg:$0xf];
	[sflag:s25] =	ssyncadd.s32 $0xFFFFC000  }
0x105: {  	[tilespmem:s24], [sflag:$0x5] =	stream.linear.gather [spmem:s18], $0x4000, $0x38;
	[tilespmem:$0x1F800] =	vst v63  }
0x106: {  	_ =	swait.ge [sflag:s25], $0x4000  }
0x107: {  	[sflag:s25] =	ssyncset.done $0x0  }
0x108: {  	[sflag:s25] =	ssyncadd.s32 $0xFFFFC000  }
0x109: {  	[hbm4b:s21+s4] =	stream.linear.scatter [tilespmem:s24], [sflag:$0x5], $0x4000, $0x38;
	[tilespmem:$0x1F800] =	vst v63  }
0x10a: {  	_ =	swait.ge [sflag:s25], $0x4000  }
0x10b: {  	[sflag:s25] =	ssyncset.done $0x0  }
0x10c: {  	[sflag:s25] =	ssyncadd.s32 $0xFFFFC000  }
0x10d: {  	[tilespmem:s24], [sflag:$0x5] =	stream.linear.gather [spmem:s22], $0x4000, $0x38;
	[tilespmem:$0x1F800] =	vst v63  }
0x10e: {  	_ =	swait.ge [sflag:s25], $0x4000  }
0x10f: {  	[sflag:s25] =	ssyncset.done $0x0  }
0x110: {  	[sflag:s25] =	ssyncadd.s32 $0xFFFFC000  }
0x111: {  	[hbm4b:s23+s4] =	stream.linear.scatter [tilespmem:s24], [sflag:$0x5], $0x4000, $0x38;
	[tilespmem:$0x1F800] =	vst v63  }
0x112: {  	_ =	swait.ge [sflag:s25], $0x4000  }
0x113: {  	[sflag:s25] =	ssyncset.done $0x0  }
0x114: {  	s17 =	simm.s32 $0x400;
	s19 =	rddreg [dreg:$0x4];
	[sflag:s25] =	ssyncadd.s32 $0xFFFFC000  }
0x115: {  	[hbm4b:s19+s28] =	stream.strided.scatter [tilespmem:s29], [sflag:$0x5], $0x2800, s17, s28, $0x38;
	[tilespmem:$0x1F800] =	vst v63  }
0x116: {  	_ =	swait.ge [sflag:s25], $0x2800  }
0x117: {  	s15 =	sadd.s32 $0x1, s15;
	s20 =	rddreg [dreg:$0x5]  }
0x118: {  	p0 =	sne.s32 s15, s20  }
.Ltmp4:
0x119: {  	_ = 	snop;
	(pc) =	sbr.rel @p0 .LBB2_1-.Ltmp4, $3  }
0x11a: {  	_ =	sdelay $0x1  }
0x11b: {  	[sflag:s25] =	ssyncset.done $0x0  }
0x11c: {  	[sflag:s25] =	ssyncadd.s32 $0xFFFFD800  }
0x11d: {  	_ =	sfence.sel $0x180000  }
0x11e: {  	[bflag:$0x0] =	sbarrier.arrive $0xFFFF  }
0x11f: {  	_ =	strace $0x90000047  }
0x120: {  	s0 =	stileid.u32;
	[bflag:$0x2] =	sbarrier.arrive $0xFFFF  }
0x121: {  	p0 =	sne.s32 s0, $0x0;
	s0 =	rddreg [dreg:$0x3]  }
0x122: {  	s0 =	sadd.s32 @!p0 $0x100000, s0  }
0x123: {  	[sflag:s0] =	ssyncadd.tile.s32 @!p0 $0x1;
	_ =	shalt  }
.Lfunc_end2:
_tile_overlayer_lowered:
.L_overlay_start_2:
0x124: {  	(tag) =	ssettag $0x2  }
0x125: {  	s0 =	rddreg [dreg:$0x0];
	s2 =	stileid.u32  }
0x126: {  	s1 =	rddreg [dreg:$0x1];
	p0 =	sne.s32 s2, $0x0  }
0x127: {  	s3 =	rddreg [dreg:$0x2];
	[bflag:$0x3] =	sbarrier.arrive $0xFFFF;
	s2 =	simm.s32 @!p0 $0x1C05  }
0x128: {  	[timem:s3], [sflag:s2] =	dma.local @!p0 [hbm:s0], s1  }
0x129: {  	s0 =	simm.s32 @!p0 $0x5  }
0x12a: {  	_ =	swait.ge @!p0 [sflag:s0], s1  }
0x12b: {  	s1 =	ssub.s32 @!p0 $0x0, s1;
	[sflag:s0] =	ssyncset.done @!p0 $0x0  }
0x12c: {  	[sflag:s0] =	ssyncadd.s32 @!p0 s1  }
0x12d: {  	[bflag:$0x3] =	sbarrier.arrive $0xFFFF  }
0x12e: {  	_ =	shalt  }

</sc_bundles>
